<compile_context>
chip_gen: v7x
topology: tpu7x:2x2x1
jax: 0.10.2.dev20260603
libtpu: 0.0.44.dev20260713+nightly
codegen_flags: <defaults>
</compile_context>

<pallas_src>
import functools

import jax
import jax.numpy as jnp
from jax import lax
from jax.experimental import pallas as pl
from jax.experimental.pallas import tpu as pltpu
from jax.experimental.pallas import tpu_sc as plsc

N = 320000
D = 128
B = 1024

BA = 32000
BN = 12800
assert N % BA == 0 and N % BN == 0
NSC = 16
CHUNK = N // NSC
ITERS = CHUNK // 16


def _gate_kernel(wg_ref, bg_ref, h_ref, gate_ref, gmax_ref):
    g = lax.dot_general(wg_ref[...], h_ref[...], (((1,), (1,)), ((), ())),
                        preferred_element_type=jnp.float32) + bg_ref[0, 0]
    gate_ref[0] = g
    bm = jnp.max(g)

    @pl.when(pl.program_id(0) == 0)
    def _():
        gmax_ref[0, 0] = bm

    @pl.when(pl.program_id(0) > 0)
    def _():
        gmax_ref[0, 0] = jnp.maximum(gmax_ref[0, 0], bm)


def _gate_pass(h, wg_row, bg2):
    return pl.pallas_call(
        _gate_kernel,
        grid=(N // BA,),
        in_specs=[
            pl.BlockSpec((1, D), lambda i: (0, 0)),
            pl.BlockSpec(memory_space=pltpu.SMEM),
            pl.BlockSpec((BA, D), lambda i: (i, 0)),
        ],
        out_specs=[
            pl.BlockSpec((1, 1, BA), lambda i: (i, 0, 0)),
            pl.BlockSpec(memory_space=pltpu.SMEM),
        ],
        out_shape=[
            jax.ShapeDtypeStruct((N // BA, 1, BA), jnp.float32),
            jax.ShapeDtypeStruct((1, 1), jnp.float32),
        ],
    )(wg_row, bg2, h)


BROWS = B // NSC


def _segsum_kernel(gate_hbm, batch_hbm, gmax_hbm, sbc_hbm,
                   g_v, b_v, sloc_v, stot_v, sall_v, gm_v, sbc_v, sh_shared):
    sid = lax.axis_index("s")
    base = sid * CHUNK
    pltpu.sync_copy(gate_hbm.at[pl.ds(base, CHUNK)], g_v)
    pltpu.sync_copy(batch_hbm.at[pl.ds(base, CHUNK)], b_v)
    pltpu.sync_copy(gmax_hbm, gm_v)
    gmax = gm_v[...]

    zeros = jnp.zeros((16,), jnp.float32)

    def zbody(j, carry):
        sloc_v[pl.ds(j * 16, 16)] = zeros
        return carry

    lax.fori_loop(0, B // 16, zbody, 0)

    def body1(i, carry):
        off = i * 16
        e = jnp.exp(g_v[pl.ds(off, 16)] - gmax)
        ids = b_v[pl.ds(off, 16)]
        plsc.addupdate_scatter(sloc_v, [ids], e)
        return carry

    lax.fori_loop(0, ITERS, body1, 0)

    pltpu.sync_copy(sloc_v, sh_shared.at[sid])
    plsc.subcore_barrier()
    pltpu.sync_copy(sh_shared, sall_v)

    def cbody(j, carry):
        off = j * 16
        acc = sall_v[0, pl.ds(off, 16)]
        for w in range(1, NSC):
            acc = acc + sall_v[w, pl.ds(off, 16)]
        stot_v[pl.ds(off, 16)] = acc
        return carry

    lax.fori_loop(0, B // 16, cbody, 0)

    def bbody(r, carry):
        seg = sid * BROWS + r
        vec = plsc.load_gather(stot_v, [jnp.full((16,), seg, jnp.int32)])
        for j in range(128 // 16):
            sbc_v[r, pl.ds(j * 16, 16)] = vec
        return carry

    lax.fori_loop(0, BROWS, bbody, 0)

    pltpu.sync_copy(sbc_v, sbc_hbm.at[pl.ds(sid * BROWS, BROWS)])


@functools.cache
def _build_segsum_pass():
    return pl.kernel(
        _segsum_kernel,
        mesh=plsc.VectorSubcoreMesh(core_axis_name="c", subcore_axis_name="s",
                                    num_cores=1),
        out_type=jax.ShapeDtypeStruct((B, D), jnp.float32),
        compiler_params=pltpu.CompilerParams(needs_layout_passes=False),
        scratch_types=[
            pltpu.VMEM((CHUNK,), jnp.float32),
            pltpu.VMEM((CHUNK,), jnp.int32),
            pltpu.VMEM((B,), jnp.float32),
            pltpu.VMEM((B,), jnp.float32),
            pltpu.VMEM((NSC, B), jnp.float32),
            pltpu.VMEM((16,), jnp.float32),
            pltpu.VMEM((BROWS, D), jnp.float32),
            pltpu.VMEM_SHARED((NSC, B), jnp.float32),
        ],
    )


def _segsum_pass(gate_flat, ids, gmax_vec):
    return _build_segsum_pass()(gate_flat, ids, gmax_vec)


def _pool_kernel(info_ref, gmax_ref, ids_ref, gate_ref, h_ref, out_ref):
    i = pl.program_id(0)

    @pl.when(i == 0)
    def _():
        out_ref[...] = jnp.zeros_like(out_ref)

    lo = info_ref[0, i]
    hi = info_ref[1, i]
    ids = ids_ref[0]
    e = jnp.exp(gate_ref[0] - gmax_ref[0, 0])
    e16 = e.astype(jnp.bfloat16)
    h16 = h_ref[...].astype(jnp.bfloat16)
    zero16 = jnp.zeros((), jnp.bfloat16)
    seg_iota = lax.broadcasted_iota(jnp.int16, (128, BN), 0)

    def chunk_body(k, carry):
        seg0 = (lo + k) * 128
        m = jnp.where(ids == (seg_iota + seg0.astype(jnp.int16)), e16, zero16)
        part = lax.dot_general(m, h16, (((1,), (0,)), ((), ())),
                               preferred_element_type=jnp.float32)
        out_ref[pl.ds(seg0, 128), :] += part
        return carry

    chunk_body(0, 0)

    @pl.when(hi > lo)
    def _():
        chunk_body(1, 0)

    lax.fori_loop(2, hi - lo + 1, chunk_body, 0)


def _pool_pass(info, gmax, ids3, gate3, h):
    return pl.pallas_call(
        _pool_kernel,
        grid=(N // BN,),
        in_specs=[
            pl.BlockSpec(memory_space=pltpu.SMEM),
            pl.BlockSpec(memory_space=pltpu.SMEM),
            pl.BlockSpec((1, 1, BN), lambda i: (i, 0, 0)),
            pl.BlockSpec((1, 1, BN), lambda i: (i, 0, 0)),
            pl.BlockSpec((BN, D), lambda i: (i, 0)),
        ],
        out_specs=pl.BlockSpec((B, D), lambda i: (0, 0)),
        out_shape=jax.ShapeDtypeStruct((B, D), jnp.float32),
    )(info, gmax, ids3, gate3, h)


def _div_kernel(acc_ref, s_ref, out_ref):
    out_ref[...] = acc_ref[...] / (s_ref[...] + 1e-8)


def _div_pass(acc, sbc):
    return pl.pallas_call(
        _div_kernel,
        out_shape=jax.ShapeDtypeStruct((B, D), jnp.float32),
    )(acc, sbc)


def kernel(h, batch, Wg, bg):
    h = h.astype(jnp.float32)
    ids = batch.astype(jnp.int32)
    wg_row = Wg.astype(jnp.float32).reshape(1, D)
    bg2 = bg.astype(jnp.float32).reshape(1, 1)

    gate, gmax = _gate_pass(h, wg_row, bg2)
    gmax_vec = jnp.broadcast_to(gmax.reshape(()), (16,))
    sbc = _segsum_pass(gate.reshape(N), ids, gmax_vec)
    info = jnp.stack([ids[::BN] // 128, ids[BN - 1::BN] // 128])
    acc = _pool_pass(info, gmax, ids.astype(jnp.int16).reshape(N // BN, 1, BN),
                     gate.reshape(N // BN, 1, BN), h)
    return _div_pass(acc, sbc)

# --- scband reference (transcript-rebuilt; emitter-appended) ---
"""Pipeline reference for scband-global-attention-pool-89859305767779 (READ-ONLY COPY).

The authoritative reference and input builder live on the scoring server;
editing this copy changes nothing except your own understanding.
"""

import jax, jax.numpy as jnp
import numpy as np

N = 320000
D = 128
B = 1024

def setup_inputs(seed: int = 0) -> dict:
    key = jax.random.key(seed)
    k1, k2, k3, k4 = jax.random.split(key, 4)
    h = jax.random.normal(k1, (N, D), dtype=jnp.float32)
    batch = jnp.sort(jax.random.randint(k2, (N,), 0, B)).astype(jnp.int64)
    # gate_nn = nn.Linear(128, 1) parameters
    Wg = jax.random.normal(k3, (D, 1), dtype=jnp.float32) * (1.0 / np.sqrt(D))
    bg = jnp.zeros((1,), dtype=jnp.float32)
    return {"h": h, "batch": batch, "Wg": Wg, "bg": bg}

def reference(h, batch, Wg, bg):
    # gate = gate_nn(h): (N, 1)
    gate = h @ Wg + bg
    # global_max_pool(gate, batch)[batch]
    gate_max_seg = jax.ops.segment_max(gate, batch, num_segments=B)
    # guard empty segments (-inf) so gather stays finite
    gate_max_seg = jnp.where(jnp.isfinite(gate_max_seg), gate_max_seg, jnp.zeros_like(gate_max_seg))
    gate_max = gate_max_seg[batch]
    gate_exp = jnp.exp(gate - gate_max)
    # global_add_pool(gate_exp, batch)[batch] + 1e-8
    gate_sum = jax.ops.segment_sum(gate_exp, batch, num_segments=B)[batch] + 1e-8
    alpha = gate_exp / gate_sum
    weighted = alpha * h
    # global_add_pool(weighted, batch): (B, D)
    out = jax.ops.segment_sum(weighted, batch, num_segments=B)
    return out

if __name__ == "__main__":
    import jax
    _d = setup_inputs()
    print(jax.jit(kernel)(*tuple(_d.values())))

</pallas_src>

<mosaic_0001>
#map = affine_map<(d0, d1) -> (0)>
#map1 = affine_map<(d0, d1) -> (0, 0)>
module attributes {stable_mosaic.version = 14 : i64} {
  func.func @_segsum_kernel(%arg0: i32, %arg1: i32, %arg2: memref<320000xf32, #tpu.memory_space<hbm>>, %arg3: memref<320000xi32, #tpu.memory_space<hbm>>, %arg4: memref<16xf32, #tpu.memory_space<hbm>>, %arg5: memref<1024x128xf32, #tpu.memory_space<hbm>>, %arg6: memref<20000xf32, #tpu.memory_space<vmem>>, %arg7: memref<20000xi32, #tpu.memory_space<vmem>>, %arg8: memref<1024xf32, #tpu.memory_space<vmem>>, %arg9: memref<1024xf32, #tpu.memory_space<vmem>>, %arg10: memref<16x1024xf32, #tpu.memory_space<vmem>>, %arg11: memref<16xf32, #tpu.memory_space<vmem>>, %arg12: memref<64x128xf32, #tpu.memory_space<vmem>>, %arg13: memref<16x1024xf32, #tpu.memory_space<vmem_shared>>) attributes {dimension_semantics = [#tpu.dimension_semantics<core_parallel>, #tpu.dimension_semantics<subcore_parallel>], iteration_bounds = array<i64: 1, 16>, scalar_prefetch = 0 : i64, scratch_operands = 8 : i64, tpu.core_type = #tpu.core_type<sc_vector_subcore>, window_params = [{transform_indices = #map}, {transform_indices = #map}, {transform_indices = #map}, {transform_indices = #map1}]} {
    %mul3A = arith.constant 20000 : i32
    %mul3A_0 = arith.muli %arg1, %mul3A : i32
    "tpu.region"() ({
      %run_scoped3A = tpu.sem_alloc : memref<!tpu.dma_semaphore, #tpu.memory_space<semaphore_mem>>
      %dma_start3A = tpu.memref_slice %arg2[%mul3A_0] : memref<320000xf32, #tpu.memory_space<hbm>> -> memref<20000xf32, #tpu.memory_space<hbm>>
      %dma_start3A_28 = tpu.memref_slice %arg2[%mul3A_0] : memref<320000xf32, #tpu.memory_space<hbm>> -> memref<20000xf32, #tpu.memory_space<hbm>>
      tpu.enqueue_dma source(%dma_start3A_28 : memref<20000xf32, #tpu.memory_space<hbm>>) target(%arg6 : memref<20000xf32, #tpu.memory_space<vmem>>) target_semaphore(%run_scoped3A : memref<!tpu.dma_semaphore, #tpu.memory_space<semaphore_mem>>)
      %dma_wait3A = tpu.memref_slice %arg2[%mul3A_0] : memref<320000xf32, #tpu.memory_space<hbm>> -> memref<20000xf32, #tpu.memory_space<hbm>>
      %dma_wait3A_29 = tpu.memref_slice %arg2[%mul3A_0] : memref<320000xf32, #tpu.memory_space<hbm>> -> memref<20000xf32, #tpu.memory_space<hbm>>
      tpu.wait_dma2 semaphore(%run_scoped3A : memref<!tpu.dma_semaphore, #tpu.memory_space<semaphore_mem>>) src(%dma_wait3A_29 : memref<20000xf32, #tpu.memory_space<hbm>>) dst(%arg6 : memref<20000xf32, #tpu.memory_space<vmem>>)
      tpu.yield
    }) : () -> ()
    "tpu.region"() ({
      %run_scoped3A = tpu.sem_alloc : memref<!tpu.dma_semaphore, #tpu.memory_space<semaphore_mem>>
      %dma_start3A = tpu.memref_slice %arg3[%mul3A_0] : memref<320000xi32, #tpu.memory_space<hbm>> -> memref<20000xi32, #tpu.memory_space<hbm>>
      %dma_start3A_28 = tpu.memref_slice %arg3[%mul3A_0] : memref<320000xi32, #tpu.memory_space<hbm>> -> memref<20000xi32, #tpu.memory_space<hbm>>
      tpu.enqueue_dma source(%dma_start3A_28 : memref<20000xi32, #tpu.memory_space<hbm>>) target(%arg7 : memref<20000xi32, #tpu.memory_space<vmem>>) target_semaphore(%run_scoped3A : memref<!tpu.dma_semaphore, #tpu.memory_space<semaphore_mem>>)
      %dma_wait3A = tpu.memref_slice %arg3[%mul3A_0] : memref<320000xi32, #tpu.memory_space<hbm>> -> memref<20000xi32, #tpu.memory_space<hbm>>
      %dma_wait3A_29 = tpu.memref_slice %arg3[%mul3A_0] : memref<320000xi32, #tpu.memory_space<hbm>> -> memref<20000xi32, #tpu.memory_space<hbm>>
      tpu.wait_dma2 semaphore(%run_scoped3A : memref<!tpu.dma_semaphore, #tpu.memory_space<semaphore_mem>>) src(%dma_wait3A_29 : memref<20000xi32, #tpu.memory_space<hbm>>) dst(%arg7 : memref<20000xi32, #tpu.memory_space<vmem>>)
      tpu.yield
    }) : () -> ()
    "tpu.region"() ({
      %run_scoped3A = tpu.sem_alloc : memref<!tpu.dma_semaphore, #tpu.memory_space<semaphore_mem>>
      tpu.enqueue_dma source(%arg4 : memref<16xf32, #tpu.memory_space<hbm>>) target(%arg11 : memref<16xf32, #tpu.memory_space<vmem>>) target_semaphore(%run_scoped3A : memref<!tpu.dma_semaphore, #tpu.memory_space<semaphore_mem>>)
      tpu.wait_dma2 semaphore(%run_scoped3A : memref<!tpu.dma_semaphore, #tpu.memory_space<semaphore_mem>>) src(%arg4 : memref<16xf32, #tpu.memory_space<hbm>>) dst(%arg11 : memref<16xf32, #tpu.memory_space<vmem>>)
      tpu.yield
    }) : () -> ()
    %get3A = arith.constant 0 : index
    %get3A_1 = tpu.vector_load %arg11[%get3A] {strides = array<i32>} : memref<16xf32, #tpu.memory_space<vmem>>, vector<16xf32>,
    %broadcast_in_dim3A = arith.constant 0.000000e+00 : f32
    %broadcast_in_dim3A_2 = vector.broadcast %broadcast_in_dim3A : f32 to vector<16xf32>
    %scan3A = arith.constant 0 : i32
    %scan3A_3 = arith.constant 0 : i32
    %scan3A_4 = arith.constant 64 : i32
    %scan3A_5 = arith.addi %scan3A_3, %scan3A_4 : i32
    %scan3A_6 = arith.constant 1 : i32
    scf.for %scan3A_28 = %scan3A_3 to %scan3A_5 step %scan3A_6  : i32 {
      %mul3A_29 = arith.constant 16 : i32
      %mul3A_30 = arith.muli %scan3A_28, %mul3A_29 : i32
      %swap3A = arith.index_cast %mul3A_30 : i32 to index
      %swap3A_31 = tpu.vector_load %arg8[%swap3A] {strides = array<i32>} : memref<1024xf32, #tpu.memory_space<vmem>>, vector<16xf32>,
      tpu.vector_store %arg8[%swap3A], %broadcast_in_dim3A_2 {strides = array<i32>} : memref<1024xf32, #tpu.memory_space<vmem>>, vector<16xf32>,
    }
    %scan3A_7 = arith.constant 64 : i32
    %scan3A_8 = arith.constant 0 : i32
    %scan3A_9 = arith.constant 0 : i32
    %scan3A_10 = arith.constant 1250 : i32
    %scan3A_11 = arith.addi %scan3A_9, %scan3A_10 : i32
    %scan3A_12 = arith.constant 1 : i32
    scf.for %scan3A_28 = %scan3A_9 to %scan3A_11 step %scan3A_12  : i32 {
      %mul3A_29 = arith.constant 16 : i32
      %mul3A_30 = arith.muli %scan3A_28, %mul3A_29 : i32
      %get3A_31 = arith.index_cast %mul3A_30 : i32 to index
      %get3A_32 = tpu.vector_load %arg6[%get3A_31] {strides = array<i32>} : memref<20000xf32, #tpu.memory_space<vmem>>, vector<16xf32>,
      %sub3A = arith.subf %get3A_32, %get3A_1 : vector<16xf32>
      %exp3A = math.exp %sub3A : vector<16xf32>
      %get3A_33 = arith.index_cast %mul3A_30 : i32 to index
      %get3A_34 = tpu.vector_load %arg7[%get3A_33] {strides = array<i32>} : memref<20000xi32, #tpu.memory_space<vmem>>, vector<16xi32>,
      tpu.vector_store_idx %arg8[%get3A_34], %exp3A {add = true} : memref<1024xf32, #tpu.memory_space<vmem>>[vector<16xi32>], vector<16xf32>,
    }
    %scan3A_13 = arith.constant 1250 : i32
    "tpu.region"() ({
      %run_scoped3A = tpu.sem_alloc : memref<!tpu.dma_semaphore, #tpu.memory_space<semaphore_mem>>
      %dma_start3A = arith.constant 0 : i32
      %dma_start3A_28 = tpu.memref_slice %arg13[%arg1, %dma_start3A] : memref<16x1024xf32, #tpu.memory_space<vmem_shared>> -> memref<1x1024xf32, #tpu.memory_space<vmem_shared>>
      %dma_start3A_29 = tpu.memref_squeeze %dma_start3A_28 : memref<1x1024xf32, #tpu.memory_space<vmem_shared>> -> memref<1024xf32, #tpu.memory_space<vmem_shared>>
      %dma_start3A_30 = arith.constant 0 : i32
      %dma_start3A_31 = tpu.memref_slice %arg13[%arg1, %dma_start3A_30] : memref<16x1024xf32, #tpu.memory_space<vmem_shared>> -> memref<1x1024xf32, #tpu.memory_space<vmem_shared>>
      %dma_start3A_32 = tpu.memref_squeeze %dma_start3A_31 : memref<1x1024xf32, #tpu.memory_space<vmem_shared>> -> memref<1024xf32, #tpu.memory_space<vmem_shared>>
      tpu.enqueue_dma source(%arg8 : memref<1024xf32, #tpu.memory_space<vmem>>) target(%dma_start3A_32 : memref<1024xf32, #tpu.memory_space<vmem_shared>>) target_semaphore(%run_scoped3A : memref<!tpu.dma_semaphore, #tpu.memory_space<semaphore_mem>>)
      %dma_wait3A = arith.constant 0 : i32
      %dma_wait3A_33 = tpu.memref_slice %arg13[%arg1, %dma_wait3A] : memref<16x1024xf32, #tpu.memory_space<vmem_shared>> -> memref<1x1024xf32, #tpu.memory_space<vmem_shared>>
      %dma_wait3A_34 = tpu.memref_squeeze %dma_wait3A_33 : memref<1x1024xf32, #tpu.memory_space<vmem_shared>> -> memref<1024xf32, #tpu.memory_space<vmem_shared>>
      %dma_wait3A_35 = arith.constant 0 : i32
      %dma_wait3A_36 = tpu.memref_slice %arg13[%arg1, %dma_wait3A_35] : memref<16x1024xf32, #tpu.memory_space<vmem_shared>> -> memref<1x1024xf32, #tpu.memory_space<vmem_shared>>
      %dma_wait3A_37 = tpu.memref_squeeze %dma_wait3A_36 : memref<1x1024xf32, #tpu.memory_space<vmem_shared>> -> memref<1024xf32, #tpu.memory_space<vmem_shared>>
      tpu.wait_dma2 semaphore(%run_scoped3A : memref<!tpu.dma_semaphore, #tpu.memory_space<semaphore_mem>>) src(%arg8 : memref<1024xf32, #tpu.memory_space<vmem>>) dst(%dma_wait3A_37 : memref<1024xf32, #tpu.memory_space<vmem_shared>>)
      tpu.yield
    }) : () -> ()
    %barrier3A = arith.constant 0 : index
    tpu.barrier barrier_id(%barrier3A)
    "tpu.region"() ({
      %run_scoped3A = tpu.sem_alloc : memref<!tpu.dma_semaphore, #tpu.memory_space<semaphore_mem>>
      tpu.enqueue_dma source(%arg13 : memref<16x1024xf32, #tpu.memory_space<vmem_shared>>) target(%arg10 : memref<16x1024xf32, #tpu.memory_space<vmem>>) target_semaphore(%run_scoped3A : memref<!tpu.dma_semaphore, #tpu.memory_space<semaphore_mem>>)
      tpu.wait_dma2 semaphore(%run_scoped3A : memref<!tpu.dma_semaphore, #tpu.memory_space<semaphore_mem>>) src(%arg13 : memref<16x1024xf32, #tpu.memory_space<vmem_shared>>) dst(%arg10 : memref<16x1024xf32, #tpu.memory_space<vmem>>)
      tpu.yield
    }) : () -> ()
    %scan3A_14 = arith.constant 0 : i32
    %scan3A_15 = arith.constant 0 : i32
    %scan3A_16 = arith.constant 64 : i32
    %scan3A_17 = arith.addi %scan3A_15, %scan3A_16 : i32
    %scan3A_18 = arith.constant 1 : i32
    scf.for %scan3A_28 = %scan3A_15 to %scan3A_17 step %scan3A_18  : i32 {
      %mul3A_29 = arith.constant 16 : i32
      %mul3A_30 = arith.muli %scan3A_28, %mul3A_29 : i32
      %get3A_31 = arith.constant 0 : i32
      %get3A_32 = arith.index_cast %get3A_31 : i32 to index
      %get3A_33 = arith.index_cast %mul3A_30 : i32 to index
      %get3A_34 = tpu.vector_load %arg10[%get3A_32, %get3A_33] {strides = array<i32>} : memref<16x1024xf32, #tpu.memory_space<vmem>>, vector<16xf32>,
      %get3A_35 = arith.constant 1 : i32
      %get3A_36 = arith.index_cast %get3A_35 : i32 to index
      %get3A_37 = arith.index_cast %mul3A_30 : i32 to index
      %get3A_38 = tpu.vector_load %arg10[%get3A_36, %get3A_37] {strides = array<i32>} : memref<16x1024xf32, #tpu.memory_space<vmem>>, vector<16xf32>,
      %add3A = arith.addf %get3A_34, %get3A_38 : vector<16xf32>
      %get3A_39 = arith.constant 2 : i32
      %get3A_40 = arith.index_cast %get3A_39 : i32 to index
      %get3A_41 = arith.index_cast %mul3A_30 : i32 to index
      %get3A_42 = tpu.vector_load %arg10[%get3A_40, %get3A_41] {strides = array<i32>} : memref<16x1024xf32, #tpu.memory_space<vmem>>, vector<16xf32>,
      %add3A_43 = arith.addf %add3A, %get3A_42 : vector<16xf32>
      %get3A_44 = arith.constant 3 : i32
      %get3A_45 = arith.index_cast %get3A_44 : i32 to index
      %get3A_46 = arith.index_cast %mul3A_30 : i32 to index
      %get3A_47 = tpu.vector_load %arg10[%get3A_45, %get3A_46] {strides = array<i32>} : memref<16x1024xf32, #tpu.memory_space<vmem>>, vector<16xf32>,
      %add3A_48 = arith.addf %add3A_43, %get3A_47 : vector<16xf32>
      %get3A_49 = arith.constant 4 : i32
      %get3A_50 = arith.index_cast %get3A_49 : i32 to index
      %get3A_51 = arith.index_cast %mul3A_30 : i32 to index
      %get3A_52 = tpu.vector_load %arg10[%get3A_50, %get3A_51] {strides = array<i32>} : memref<16x1024xf32, #tpu.memory_space<vmem>>, vector<16xf32>,
      %add3A_53 = arith.addf %add3A_48, %get3A_52 : vector<16xf32>
      %get3A_54 = arith.constant 5 : i32
      %get3A_55 = arith.index_cast %get3A_54 : i32 to index
      %get3A_56 = arith.index_cast %mul3A_30 : i32 to index
      %get3A_57 = tpu.vector_load %arg10[%get3A_55, %get3A_56] {strides = array<i32>} : memref<16x1024xf32, #tpu.memory_space<vmem>>, vector<16xf32>,
      %add3A_58 = arith.addf %add3A_53, %get3A_57 : vector<16xf32>
      %get3A_59 = arith.constant 6 : i32
      %get3A_60 = arith.index_cast %get3A_59 : i32 to index
      %get3A_61 = arith.index_cast %mul3A_30 : i32 to index
      %get3A_62 = tpu.vector_load %arg10[%get3A_60, %get3A_61] {strides = array<i32>} : memref<16x1024xf32, #tpu.memory_space<vmem>>, vector<16xf32>,
      %add3A_63 = arith.addf %add3A_58, %get3A_62 : vector<16xf32>
      %get3A_64 = arith.constant 7 : i32
      %get3A_65 = arith.index_cast %get3A_64 : i32 to index
      %get3A_66 = arith.index_cast %mul3A_30 : i32 to index
      %get3A_67 = tpu.vector_load %arg10[%get3A_65, %get3A_66] {strides = array<i32>} : memref<16x1024xf32, #tpu.memory_space<vmem>>, vector<16xf32>,
      %add3A_68 = arith.addf %add3A_63, %get3A_67 : vector<16xf32>
      %get3A_69 = arith.constant 8 : i32
      %get3A_70 = arith.index_cast %get3A_69 : i32 to index
      %get3A_71 = arith.index_cast %mul3A_30 : i32 to index
      %get3A_72 = tpu.vector_load %arg10[%get3A_70, %get3A_71] {strides = array<i32>} : memref<16x1024xf32, #tpu.memory_space<vmem>>, vector<16xf32>,
      %add3A_73 = arith.addf %add3A_68, %get3A_72 : vector<16xf32>
      %get3A_74 = arith.constant 9 : i32
      %get3A_75 = arith.index_cast %get3A_74 : i32 to index
      %get3A_76 = arith.index_cast %mul3A_30 : i32 to index
      %get3A_77 = tpu.vector_load %arg10[%get3A_75, %get3A_76] {strides = array<i32>} : memref<16x1024xf32, #tpu.memory_space<vmem>>, vector<16xf32>,
      %add3A_78 = arith.addf %add3A_73, %get3A_77 : vector<16xf32>
      %get3A_79 = arith.constant 10 : i32
      %get3A_80 = arith.index_cast %get3A_79 : i32 to index
      %get3A_81 = arith.index_cast %mul3A_30 : i32 to index
      %get3A_82 = tpu.vector_load %arg10[%get3A_80, %get3A_81] {strides = array<i32>} : memref<16x1024xf32, #tpu.memory_space<vmem>>, vector<16xf32>,
      %add3A_83 = arith.addf %add3A_78, %get3A_82 : vector<16xf32>
      %get3A_84 = arith.constant 11 : i32
      %get3A_85 = arith.index_cast %get3A_84 : i32 to index
      %get3A_86 = arith.index_cast %mul3A_30 : i32 to index
      %get3A_87 = tpu.vector_load %arg10[%get3A_85, %get3A_86] {strides = array<i32>} : memref<16x1024xf32, #tpu.memory_space<vmem>>, vector<16xf32>,
      %add3A_88 = arith.addf %add3A_83, %get3A_87 : vector<16xf32>
      %get3A_89 = arith.constant 12 : i32
      %get3A_90 = arith.index_cast %get3A_89 : i32 to index
      %get3A_91 = arith.index_cast %mul3A_30 : i32 to index
      %get3A_92 = tpu.vector_load %arg10[%get3A_90, %get3A_91] {strides = array<i32>} : memref<16x1024xf32, #tpu.memory_space<vmem>>, vector<16xf32>,
      %add3A_93 = arith.addf %add3A_88, %get3A_92 : vector<16xf32>
      %get3A_94 = arith.constant 13 : i32
      %get3A_95 = arith.index_cast %get3A_94 : i32 to index
      %get3A_96 = arith.index_cast %mul3A_30 : i32 to index
      %get3A_97 = tpu.vector_load %arg10[%get3A_95, %get3A_96] {strides = array<i32>} : memref<16x1024xf32, #tpu.memory_space<vmem>>, vector<16xf32>,
      %add3A_98 = arith.addf %add3A_93, %get3A_97 : vector<16xf32>
      %get3A_99 = arith.constant 14 : i32
      %get3A_100 = arith.index_cast %get3A_99 : i32 to index
      %get3A_101 = arith.index_cast %mul3A_30 : i32 to index
      %get3A_102 = tpu.vector_load %arg10[%get3A_100, %get3A_101] {strides = array<i32>} : memref<16x1024xf32, #tpu.memory_space<vmem>>, vector<16xf32>,
      %add3A_103 = arith.addf %add3A_98, %get3A_102 : vector<16xf32>
      %get3A_104 = arith.constant 15 : i32
      %get3A_105 = arith.index_cast %get3A_104 : i32 to index
      %get3A_106 = arith.index_cast %mul3A_30 : i32 to index
      %get3A_107 = tpu.vector_load %arg10[%get3A_105, %get3A_106] {strides = array<i32>} : memref<16x1024xf32, #tpu.memory_space<vmem>>, vector<16xf32>,
      %add3A_108 = arith.addf %add3A_103, %get3A_107 : vector<16xf32>
      %swap3A = arith.index_cast %mul3A_30 : i32 to index
      %swap3A_109 = tpu.vector_load %arg9[%swap3A] {strides = array<i32>} : memref<1024xf32, #tpu.memory_space<vmem>>, vector<16xf32>,
      tpu.vector_store %arg9[%swap3A], %add3A_108 {strides = array<i32>} : memref<1024xf32, #tpu.memory_space<vmem>>, vector<16xf32>,
    }
    %scan3A_19 = arith.constant 64 : i32
    %scan3A_20 = arith.constant 0 : i32
    %scan3A_21 = arith.constant 0 : i32
    %scan3A_22 = arith.constant 64 : i32
    %scan3A_23 = arith.addi %scan3A_21, %scan3A_22 : i32
    %scan3A_24 = arith.constant 1 : i32
    scf.for %scan3A_28 = %scan3A_21 to %scan3A_23 step %scan3A_24  : i32 {
      %mul3A_29 = arith.constant 64 : i32
      %mul3A_30 = arith.muli %arg1, %mul3A_29 : i32
      %add3A = arith.addi %mul3A_30, %scan3A_28 : i32
      %broadcast_in_dim3A_31 = vector.broadcast %add3A : i32 to vector<16xi32>
      %gather3A = tpu.vector_load_idx %arg9[%broadcast_in_dim3A_31] : memref<1024xf32, #tpu.memory_space<vmem>>[vector<16xi32>], vector<16xf32>,
      %swap3A = arith.index_cast %scan3A_28 : i32 to index
      %swap3A_32 = arith.constant 0 : index
      %swap3A_33 = tpu.vector_load %arg12[%swap3A, %swap3A_32] {strides = array<i32>} : memref<64x128xf32, #tpu.memory_space<vmem>>, vector<16xf32>,
      tpu.vector_store %arg12[%swap3A, %swap3A_32], %gather3A {strides = array<i32>} : memref<64x128xf32, #tpu.memory_space<vmem>>, vector<16xf32>,
      %swap3A_34 = arith.index_cast %scan3A_28 : i32 to index
      %swap3A_35 = arith.constant 16 : index
      %swap3A_36 = tpu.vector_load %arg12[%swap3A_34, %swap3A_35] {strides = array<i32>} : memref<64x128xf32, #tpu.memory_space<vmem>>, vector<16xf32>,
      tpu.vector_store %arg12[%swap3A_34, %swap3A_35], %gather3A {strides = array<i32>} : memref<64x128xf32, #tpu.memory_space<vmem>>, vector<16xf32>,
      %swap3A_37 = arith.index_cast %scan3A_28 : i32 to index
      %swap3A_38 = arith.constant 32 : index
      %swap3A_39 = tpu.vector_load %arg12[%swap3A_37, %swap3A_38] {strides = array<i32>} : memref<64x128xf32, #tpu.memory_space<vmem>>, vector<16xf32>,
      tpu.vector_store %arg12[%swap3A_37, %swap3A_38], %gather3A {strides = array<i32>} : memref<64x128xf32, #tpu.memory_space<vmem>>, vector<16xf32>,
      %swap3A_40 = arith.index_cast %scan3A_28 : i32 to index
      %swap3A_41 = arith.constant 48 : index
      %swap3A_42 = tpu.vector_load %arg12[%swap3A_40, %swap3A_41] {strides = array<i32>} : memref<64x128xf32, #tpu.memory_space<vmem>>, vector<16xf32>,
      tpu.vector_store %arg12[%swap3A_40, %swap3A_41], %gather3A {strides = array<i32>} : memref<64x128xf32, #tpu.memory_space<vmem>>, vector<16xf32>,
      %swap3A_43 = arith.index_cast %scan3A_28 : i32 to index
      %swap3A_44 = arith.constant 64 : index
      %swap3A_45 = tpu.vector_load %arg12[%swap3A_43, %swap3A_44] {strides = array<i32>} : memref<64x128xf32, #tpu.memory_space<vmem>>, vector<16xf32>,
      tpu.vector_store %arg12[%swap3A_43, %swap3A_44], %gather3A {strides = array<i32>} : memref<64x128xf32, #tpu.memory_space<vmem>>, vector<16xf32>,
      %swap3A_46 = arith.index_cast %scan3A_28 : i32 to index
      %swap3A_47 = arith.constant 80 : index
      %swap3A_48 = tpu.vector_load %arg12[%swap3A_46, %swap3A_47] {strides = array<i32>} : memref<64x128xf32, #tpu.memory_space<vmem>>, vector<16xf32>,
      tpu.vector_store %arg12[%swap3A_46, %swap3A_47], %gather3A {strides = array<i32>} : memref<64x128xf32, #tpu.memory_space<vmem>>, vector<16xf32>,
      %swap3A_49 = arith.index_cast %scan3A_28 : i32 to index
      %swap3A_50 = arith.constant 96 : index
      %swap3A_51 = tpu.vector_load %arg12[%swap3A_49, %swap3A_50] {strides = array<i32>} : memref<64x128xf32, #tpu.memory_space<vmem>>, vector<16xf32>,
      tpu.vector_store %arg12[%swap3A_49, %swap3A_50], %gather3A {strides = array<i32>} : memref<64x128xf32, #tpu.memory_space<vmem>>, vector<16xf32>,
      %swap3A_52 = arith.index_cast %scan3A_28 : i32 to index
      %swap3A_53 = arith.constant 112 : index
      %swap3A_54 = tpu.vector_load %arg12[%swap3A_52, %swap3A_53] {strides = array<i32>} : memref<64x128xf32, #tpu.memory_space<vmem>>, vector<16xf32>,
      tpu.vector_store %arg12[%swap3A_52, %swap3A_53], %gather3A {strides = array<i32>} : memref<64x128xf32, #tpu.memory_space<vmem>>, vector<16xf32>,
    }
    %scan3A_25 = arith.constant 64 : i32
    %mul3A_26 = arith.constant 64 : i32
    %mul3A_27 = arith.muli %arg1, %mul3A_26 : i32
    "tpu.region"() ({
      %run_scoped3A = tpu.sem_alloc : memref<!tpu.dma_semaphore, #tpu.memory_space<semaphore_mem>>
      %dma_start3A = arith.constant 0 : i32
      %dma_start3A_28 = tpu.memref_slice %arg5[%mul3A_27, %dma_start3A] : memref<1024x128xf32, #tpu.memory_space<hbm>> -> memref<64x128xf32, #tpu.memory_space<hbm>>
      %dma_start3A_29 = arith.constant 0 : i32
      %dma_start3A_30 = tpu.memref_slice %arg5[%mul3A_27, %dma_start3A_29] : memref<1024x128xf32, #tpu.memory_space<hbm>> -> memref<64x128xf32, #tpu.memory_space<hbm>>
      tpu.enqueue_dma source(%arg12 : memref<64x128xf32, #tpu.memory_space<vmem>>) target(%dma_start3A_30 : memref<64x128xf32, #tpu.memory_space<hbm>>) target_semaphore(%run_scoped3A : memref<!tpu.dma_semaphore, #tpu.memory_space<semaphore_mem>>)
      %dma_wait3A = arith.constant 0 : i32
      %dma_wait3A_31 = tpu.memref_slice %arg5[%mul3A_27, %dma_wait3A] : memref<1024x128xf32, #tpu.memory_space<hbm>> -> memref<64x128xf32, #tpu.memory_space<hbm>>
      %dma_wait3A_32 = arith.constant 0 : i32
      %dma_wait3A_33 = tpu.memref_slice %arg5[%mul3A_27, %dma_wait3A_32] : memref<1024x128xf32, #tpu.memory_space<hbm>> -> memref<64x128xf32, #tpu.memory_space<hbm>>
      tpu.wait_dma2 semaphore(%run_scoped3A : memref<!tpu.dma_semaphore, #tpu.memory_space<semaphore_mem>>) src(%arg12 : memref<64x128xf32, #tpu.memory_space<vmem>>) dst(%dma_wait3A_33 : memref<64x128xf32, #tpu.memory_space<hbm>>)
      tpu.yield
    }) : () -> ()
    return
  }
}

module attributes {stable_mosaic.version = 14 : i64} {
  func.func @_gate_kernel(%arg0: i32, %arg1: memref<1x128xf32, #tpu.memory_space<vmem>>, %arg2: memref<1x1xf32, #tpu.memory_space<smem>>, %arg3: memref<32000x128xf32, #tpu.memory_space<vmem>>, %arg4: memref<1x1x32000xf32, #tpu.memory_space<vmem>>, %arg5: memref<1x1xf32, #tpu.memory_space<smem>>) attributes {dimension_semantics = [#tpu.dimension_semantics<arbitrary>], iteration_bounds = array<i64: 10>, scalar_prefetch = 0 : i64, scratch_operands = 0 : i64, tpu.core_type = #tpu.core_type<tc>, window_params = [{pipeline_mode = #tpu.pipeline_mode<synchronous>, transform_indices = @transform_0, window_bounds = array<i64: 1, 128>}, {transform_indices = @transform_1, window_bounds = array<i64: 1, 1>}, {transform_indices = @transform_2, window_bounds = array<i64: 32000, 128>}, {transform_indices = @transform_3, window_bounds = array<i64: 1, 1, 32000>}, {transform_indices = @transform_4, window_bounds = array<i64: 1, 1>}]} {
    %get3A = arith.constant 0 : index
    %get3A_0 = arith.constant 0 : index
    %get3A_1 = vector.load %arg1[%get3A, %get3A_0] : memref<1x128xf32, #tpu.memory_space<vmem>>, vector<1x128xf32>
    %get3A_2 = arith.constant 0 : index
    %get3A_3 = arith.constant 0 : index
    %get3A_4 = vector.load %arg3[%get3A_2, %get3A_3] : memref<32000x128xf32, #tpu.memory_space<vmem>>, vector<32000x128xf32>
    %dot_general3A = arith.constant dense<0.000000e+00> : vector<1x32000xf32>
    %dot_general3A_5 = tpu.matmul %get3A_1, %get3A_4, %dot_general3A {dimension_numbers = #tpu.dot_dimension_numbers<[1], [1], [0], [0], [0, 0, 1, 0], [], []>, transpose_lhs_hint = false} : vector<1x128xf32>, vector<32000x128xf32>, vector<1x32000xf32> -> vector<1x32000xf32>
    %get3A_6 = arith.constant 0 : index
    %get3A_7 = arith.constant 0 : index
    %get3A_8 = memref.load %arg2[%get3A_6, %get3A_7] : memref<1x1xf32, #tpu.memory_space<smem>>
    %add3A = vector.broadcast %get3A_8 : f32 to vector<1x32000xf32>
    %add3A_9 = arith.addf %dot_general3A_5, %add3A : vector<1x32000xf32>
    %swap3A = arith.constant 0 : index
    %swap3A_10 = arith.constant 0 : index
    %swap3A_11 = arith.constant 0 : index
    %swap3A_12 = vector.load %arg4[%swap3A, %swap3A_10, %swap3A_11] : memref<1x1x32000xf32, #tpu.memory_space<vmem>>, vector<1x1x32000xf32>
    %swap3A_13 = vector.shape_cast %swap3A_12 : vector<1x1x32000xf32> to vector<1x32000xf32>
    %swap3A_14 = vector.shape_cast %add3A_9 : vector<1x32000xf32> to vector<1x1x32000xf32>
    tpu.vector_store %arg4[%swap3A, %swap3A_10, %swap3A_11], %swap3A_14 {strides = array<i32>} : memref<1x1x32000xf32, #tpu.memory_space<vmem>>, vector<1x1x32000xf32>,
    %reduce_max3A = vector.shape_cast %add3A_9 : vector<1x32000xf32> to vector<1x1x32000xf32>
    %reduce_max3A_15 = arith.constant dense<0xFF800000> : vector<1xf32>
    %reduce_max3A_16 = vector.multi_reduction <maximumf>, %reduce_max3A, %reduce_max3A_15 [1, 2] : vector<1x1x32000xf32> to vector<1xf32>
    %reduce_max3A_17 = vector.shape_cast %reduce_max3A_16 : vector<1xf32> to vector<1x1x1xf32>
    %reduce_max3A_18 = vector.extract %reduce_max3A_17[0, 0, 0] : f32 from vector<1x1x1xf32>
    %eq3A = arith.constant 0 : i32
    %eq3A_19 = arith.cmpi eq, %arg0, %eq3A : i32
    %convert_element_type3A = arith.extui %eq3A_19 : i1 to i32
    %cond3A = arith.constant 0 : i32
    %cond3A_20 = arith.cmpi ne, %convert_element_type3A, %cond3A : i32
    scf.if %cond3A_20 {
      %swap3A_25 = arith.constant 0 : index
      %swap3A_26 = arith.constant 0 : index
      %swap3A_27 = memref.load %arg5[%swap3A_25, %swap3A_26] : memref<1x1xf32, #tpu.memory_space<smem>>
      memref.store %reduce_max3A_18, %arg5[%swap3A_25, %swap3A_26] : memref<1x1xf32, #tpu.memory_space<smem>>
    } else {
    }
    %gt3A = arith.constant 0 : i32
    %gt3A_21 = arith.cmpi sgt, %arg0, %gt3A : i32
    %convert_element_type3A_22 = arith.extui %gt3A_21 : i1 to i32
    %cond3A_23 = arith.constant 0 : i32
    %cond3A_24 = arith.cmpi ne, %convert_element_type3A_22, %cond3A_23 : i32
    scf.if %cond3A_24 {
      %get3A_25 = arith.constant 0 : index
      %get3A_26 = arith.constant 0 : index
      %get3A_27 = memref.load %arg5[%get3A_25, %get3A_26] : memref<1x1xf32, #tpu.memory_space<smem>>
      %max3A = arith.maximumf %get3A_27, %reduce_max3A_18 : f32
      %swap3A_28 = arith.constant 0 : index
      %swap3A_29 = arith.constant 0 : index
      %swap3A_30 = memref.load %arg5[%swap3A_28, %swap3A_29] : memref<1x1xf32, #tpu.memory_space<smem>>
      memref.store %max3A, %arg5[%swap3A_28, %swap3A_29] : memref<1x1xf32, #tpu.memory_space<smem>>
    } else {
    }
    return
  }
  func.func @transform_0(%arg0: i32) -> (i32, i32) {
    %c0_i32 = arith.constant 0 : i32
    %c0_i32_0 = arith.constant 0 : i32
    %c0_i32_1 = arith.constant 0 : i32
    return %c0_i32, %c0_i32_0 : i32, i32
  }
  func.func @transform_1(%arg0: i32) -> (i32, i32) {
    %c0_i32 = arith.constant 0 : i32
    %c0_i32_0 = arith.constant 0 : i32
    %c0_i32_1 = arith.constant 0 : i32
    return %c0_i32, %c0_i32_0 : i32, i32
  }
  func.func @transform_2(%arg0: i32) -> (i32, i32) {
    %c0_i32 = arith.constant 0 : i32
    %c0_i32_0 = arith.constant 0 : i32
    return %arg0, %c0_i32 : i32, i32
  }
  func.func @transform_3(%arg0: i32) -> (i32, i32, i32) {
    %c0_i32 = arith.constant 0 : i32
    %c0_i32_0 = arith.constant 0 : i32
    %c0_i32_1 = arith.constant 0 : i32
    return %arg0, %c0_i32, %c0_i32_0 : i32, i32, i32
  }
  func.func @transform_4(%arg0: i32) -> (i32, i32) {
    %c0_i32 = arith.constant 0 : i32
    %c0_i32_0 = arith.constant 0 : i32
    %c0_i32_1 = arith.constant 0 : i32
    return %c0_i32, %c0_i32_0 : i32, i32
  }
}

module attributes {stable_mosaic.version = 14 : i64} {
  func.func @_pool_kernel(%arg0: i32, %arg1: memref<2x25xi32, #tpu.memory_space<smem>>, %arg2: memref<1x1xf32, #tpu.memory_space<smem>>, %arg3: memref<1x1x12800xi16, #tpu.memory_space<vmem>>, %arg4: memref<1x1x12800xf32, #tpu.memory_space<vmem>>, %arg5: memref<12800x128xf32, #tpu.memory_space<vmem>>, %arg6: memref<1024x128xf32, #tpu.memory_space<vmem>>) attributes {dimension_semantics = [#tpu.dimension_semantics<arbitrary>], iteration_bounds = array<i64: 25>, scalar_prefetch = 0 : i64, scratch_operands = 0 : i64, tpu.core_type = #tpu.core_type<tc>, window_params = [{transform_indices = @transform_0, window_bounds = array<i64: 2, 25>}, {transform_indices = @transform_1, window_bounds = array<i64: 1, 1>}, {transform_indices = @transform_2, window_bounds = array<i64: 1, 1, 12800>}, {transform_indices = @transform_3, window_bounds = array<i64: 1, 1, 12800>}, {transform_indices = @transform_4, window_bounds = array<i64: 12800, 128>}, {pipeline_mode = #tpu.pipeline_mode<synchronous>, transform_indices = @transform_5, window_bounds = array<i64: 1024, 128>}]} {
    %eq3A = arith.constant 0 : i32
    %eq3A_0 = arith.cmpi eq, %arg0, %eq3A : i32
    %convert_element_type3A = arith.extui %eq3A_0 : i1 to i32
    %cond3A = arith.constant 0 : i32
    %cond3A_1 = arith.cmpi ne, %convert_element_type3A, %cond3A : i32
    scf.if %cond3A_1 {
      %broadcast_in_dim3A_59 = arith.constant 0.000000e+00 : f32
      %broadcast_in_dim3A_60 = vector.broadcast %broadcast_in_dim3A_59 : f32 to vector<1024x128xf32>
      %swap3A_61 = arith.constant 0 : index
      %swap3A_62 = arith.constant 0 : index
      %swap3A_63 = vector.load %arg6[%swap3A_61, %swap3A_62] : memref<1024x128xf32, #tpu.memory_space<vmem>>, vector<1024x128xf32>
      tpu.vector_store %arg6[%swap3A_61, %swap3A_62], %broadcast_in_dim3A_60 {strides = array<i32>} : memref<1024x128xf32, #tpu.memory_space<vmem>>, vector<1024x128xf32>,
    } else {
    }
    %get3A = arith.constant 0 : index
    %get3A_2 = arith.index_cast %arg0 : i32 to index
    %get3A_3 = memref.load %arg1[%get3A, %get3A_2] : memref<2x25xi32, #tpu.memory_space<smem>>
    %get3A_4 = arith.constant 1 : index
    %get3A_5 = arith.index_cast %arg0 : i32 to index
    %get3A_6 = memref.load %arg1[%get3A_4, %get3A_5] : memref<2x25xi32, #tpu.memory_space<smem>>
    %get3A_7 = arith.constant 0 : index
    %get3A_8 = arith.constant 0 : index
    %get3A_9 = arith.constant 0 : index
    %get3A_10 = vector.load %arg3[%get3A_7, %get3A_8, %get3A_9] : memref<1x1x12800xi16, #tpu.memory_space<vmem>>, vector<1x1x12800xi16>
    %get3A_11 = vector.shape_cast %get3A_10 : vector<1x1x12800xi16> to vector<1x12800xi16>
    %get3A_12 = arith.constant 0 : index
    %get3A_13 = arith.constant 0 : index
    %get3A_14 = arith.constant 0 : index
    %get3A_15 = vector.load %arg4[%get3A_12, %get3A_13, %get3A_14] : memref<1x1x12800xf32, #tpu.memory_space<vmem>>, vector<1x1x12800xf32>
    %get3A_16 = vector.shape_cast %get3A_15 : vector<1x1x12800xf32> to vector<1x12800xf32>
    %get3A_17 = arith.constant 0 : index
    %get3A_18 = arith.constant 0 : index
    %get3A_19 = memref.load %arg2[%get3A_17, %get3A_18] : memref<1x1xf32, #tpu.memory_space<smem>>
    %sub3A = vector.broadcast %get3A_19 : f32 to vector<1x12800xf32>
    %sub3A_20 = arith.subf %get3A_16, %sub3A : vector<1x12800xf32>
    %exp3A = math.exp %sub3A_20 : vector<1x12800xf32>
    %convert_element_type3A_21 = arith.truncf %exp3A : vector<1x12800xf32> to vector<1x12800xbf16>
    %get3A_22 = arith.constant 0 : index
    %get3A_23 = arith.constant 0 : index
    %get3A_24 = vector.load %arg5[%get3A_22, %get3A_23] : memref<12800x128xf32, #tpu.memory_space<vmem>>, vector<12800x128xf32>
    %convert_element_type3A_25 = arith.truncf %get3A_24 : vector<12800x128xf32> to vector<12800x128xbf16>
    %iota3A = tpu.iota {dimensions = array<i32: 0>} : vector<128x12800xi16>
    %add3A = arith.constant 0 : i32
    %add3A_26 = arith.addi %get3A_3, %add3A : i32
    %mul3A = arith.constant 128 : i32
    %mul3A_27 = arith.muli %add3A_26, %mul3A : i32
    %convert_element_type3A_28 = arith.trunci %mul3A_27 : i32 to i16
    %add3A_29 = vector.broadcast %convert_element_type3A_28 : i16 to vector<128x12800xi16>
    %add3A_30 = arith.addi %iota3A, %add3A_29 : vector<128x12800xi16>
    %eq3A_31 = vector.broadcast %get3A_11 : vector<1x12800xi16> to vector<128x12800xi16>
    %eq3A_32 = arith.cmpi eq, %eq3A_31, %add3A_30 : vector<128x12800xi16>
    %jit3A = arith.constant 0.000000e+00 : bf16
    %broadcast_in_dim3A = vector.shape_cast %convert_element_type3A_21 : vector<1x12800xbf16> to vector<1x12800xbf16>
    %broadcast_in_dim3A_33 = vector.broadcast %broadcast_in_dim3A : vector<1x12800xbf16> to vector<128x12800xbf16>
    %broadcast_in_dim3A_34 = vector.broadcast %jit3A : bf16 to vector<128x12800xbf16>
    %select_n3A = arith.select %eq3A_32, %broadcast_in_dim3A_33, %broadcast_in_dim3A_34 : vector<128x12800xi1>, vector<128x12800xbf16>
    %dot_general3A = arith.constant dense<0.000000e+00> : vector<128x128xf32>
    %dot_general3A_35 = tpu.matmul %select_n3A, %convert_element_type3A_25, %dot_general3A {dimension_numbers = #tpu.dot_dimension_numbers<[1], [0], [0], [1], [0, 0, 1, 1], [], []>, transpose_lhs_hint = false} : vector<128x12800xbf16>, vector<12800x128xbf16>, vector<128x128xf32> -> vector<128x128xf32>
    %get3A_36 = arith.index_cast %mul3A_27 : i32 to index
    %get3A_37 = arith.constant 0 : index
    %get3A_38 = vector.load %arg6[%get3A_36, %get3A_37] : memref<1024x128xf32, #tpu.memory_space<vmem>>, vector<128x128xf32>
    %add3A_39 = arith.addf %get3A_38, %dot_general3A_35 : vector<128x128xf32>
    %swap3A = arith.index_cast %mul3A_27 : i32 to index
    %swap3A_40 = arith.constant 0 : index
    %swap3A_41 = vector.load %arg6[%swap3A, %swap3A_40] : memref<1024x128xf32, #tpu.memory_space<vmem>>, vector<128x128xf32>
    tpu.vector_store %arg6[%swap3A, %swap3A_40], %add3A_39 {strides = array<i32>} : memref<1024x128xf32, #tpu.memory_space<vmem>>, vector<128x128xf32>,
    %gt3A = arith.cmpi sgt, %get3A_6, %get3A_3 : i32
    %convert_element_type3A_42 = arith.extui %gt3A : i1 to i32
    %cond3A_43 = arith.constant 0.000000e+00 : bf16
    %cond3A_44 = arith.constant 0 : i32
    %cond3A_45 = arith.cmpi ne, %convert_element_type3A_42, %cond3A_44 : i32
    scf.if %cond3A_45 {
      %add3A_59 = arith.constant 1 : i32
      %add3A_60 = arith.addi %get3A_3, %add3A_59 : i32
      %mul3A_61 = arith.constant 128 : i32
      %mul3A_62 = arith.muli %add3A_60, %mul3A_61 : i32
      %convert_element_type3A_63 = arith.trunci %mul3A_62 : i32 to i16
      %add3A_64 = vector.broadcast %convert_element_type3A_63 : i16 to vector<128x12800xi16>
      %add3A_65 = arith.addi %iota3A, %add3A_64 : vector<128x12800xi16>
      %eq3A_66 = vector.broadcast %get3A_11 : vector<1x12800xi16> to vector<128x12800xi16>
      %eq3A_67 = arith.cmpi eq, %eq3A_66, %add3A_65 : vector<128x12800xi16>
      %broadcast_in_dim3A_68 = vector.shape_cast %convert_element_type3A_21 : vector<1x12800xbf16> to vector<1x12800xbf16>
      %broadcast_in_dim3A_69 = vector.broadcast %broadcast_in_dim3A_68 : vector<1x12800xbf16> to vector<128x12800xbf16>
      %broadcast_in_dim3A_70 = vector.broadcast %cond3A_43 : bf16 to vector<128x12800xbf16>
      %select_n3A_71 = arith.select %eq3A_67, %broadcast_in_dim3A_69, %broadcast_in_dim3A_70 : vector<128x12800xi1>, vector<128x12800xbf16>
      %dot_general3A_72 = arith.constant dense<0.000000e+00> : vector<128x128xf32>
      %dot_general3A_73 = tpu.matmul %select_n3A_71, %convert_element_type3A_25, %dot_general3A_72 {dimension_numbers = #tpu.dot_dimension_numbers<[1], [0], [0], [1], [0, 0, 1, 1], [], []>, transpose_lhs_hint = false} : vector<128x12800xbf16>, vector<12800x128xbf16>, vector<128x128xf32> -> vector<128x128xf32>
      %get3A_74 = arith.index_cast %mul3A_62 : i32 to index
      %get3A_75 = arith.constant 0 : index
      %get3A_76 = vector.load %arg6[%get3A_74, %get3A_75] : memref<1024x128xf32, #tpu.memory_space<vmem>>, vector<128x128xf32>
      %add3A_77 = arith.addf %get3A_76, %dot_general3A_73 : vector<128x128xf32>
      %swap3A_78 = arith.index_cast %mul3A_62 : i32 to index
      %swap3A_79 = arith.constant 0 : index
      %swap3A_80 = vector.load %arg6[%swap3A_78, %swap3A_79] : memref<1024x128xf32, #tpu.memory_space<vmem>>, vector<128x128xf32>
      tpu.vector_store %arg6[%swap3A_78, %swap3A_79], %add3A_77 {strides = array<i32>} : memref<1024x128xf32, #tpu.memory_space<vmem>>, vector<128x128xf32>,
    } else {
    }
    %sub3A_46 = arith.subi %get3A_6, %get3A_3 : i32
    %add3A_47 = arith.constant 1 : i32
    %add3A_48 = arith.addi %sub3A_46, %add3A_47 : i32
    %while3A = arith.constant 0 : i32
    %while3A_49 = arith.constant 0.000000e+00 : bf16
    %while3A_50 = arith.constant 2 : i32
    %while3A_51 = arith.subi %add3A_48, %while3A_50 : i32
    %while3A_52 = arith.addi %while3A_50, %while3A_51 : i32
    %while3A_53 = arith.constant 1 : i32
    %while3A_54 = arith.divsi %while3A_51, %while3A_53 : i32
    %while3A_55 = arith.muli %while3A_54, %while3A_53 : i32
    %while3A_56 = arith.addi %while3A_50, %while3A_55 : i32
    %while3A_57 = arith.constant 1 : i32
    scf.for %while3A_59 = %while3A_50 to %while3A_56 step %while3A_57  : i32 {
      %add3A_60 = arith.addi %get3A_3, %while3A_59 : i32
      %mul3A_61 = arith.constant 128 : i32
      %mul3A_62 = arith.muli %add3A_60, %mul3A_61 : i32
      %convert_element_type3A_63 = arith.trunci %mul3A_62 : i32 to i16
      %add3A_64 = vector.broadcast %convert_element_type3A_63 : i16 to vector<128x12800xi16>
      %add3A_65 = arith.addi %iota3A, %add3A_64 : vector<128x12800xi16>
      %eq3A_66 = vector.broadcast %get3A_11 : vector<1x12800xi16> to vector<128x12800xi16>
      %eq3A_67 = arith.cmpi eq, %eq3A_66, %add3A_65 : vector<128x12800xi16>
      %broadcast_in_dim3A_68 = vector.shape_cast %convert_element_type3A_21 : vector<1x12800xbf16> to vector<1x12800xbf16>
      %broadcast_in_dim3A_69 = vector.broadcast %broadcast_in_dim3A_68 : vector<1x12800xbf16> to vector<128x12800xbf16>
      %broadcast_in_dim3A_70 = vector.broadcast %while3A_49 : bf16 to vector<128x12800xbf16>
      %select_n3A_71 = arith.select %eq3A_67, %broadcast_in_dim3A_69, %broadcast_in_dim3A_70 : vector<128x12800xi1>, vector<128x12800xbf16>
      %dot_general3A_72 = arith.constant dense<0.000000e+00> : vector<128x128xf32>
      %dot_general3A_73 = tpu.matmul %select_n3A_71, %convert_element_type3A_25, %dot_general3A_72 {dimension_numbers = #tpu.dot_dimension_numbers<[1], [0], [0], [1], [0, 0, 1, 1], [], []>, transpose_lhs_hint = false} : vector<128x12800xbf16>, vector<12800x128xbf16>, vector<128x128xf32> -> vector<128x128xf32>
      %get3A_74 = arith.index_cast %mul3A_62 : i32 to index
      %get3A_75 = arith.constant 0 : index
      %get3A_76 = vector.load %arg6[%get3A_74, %get3A_75] : memref<1024x128xf32, #tpu.memory_space<vmem>>, vector<128x128xf32>
      %add3A_77 = arith.addf %get3A_76, %dot_general3A_73 : vector<128x128xf32>
      %swap3A_78 = arith.index_cast %mul3A_62 : i32 to index
      %swap3A_79 = arith.constant 0 : index
      %swap3A_80 = vector.load %arg6[%swap3A_78, %swap3A_79] : memref<1024x128xf32, #tpu.memory_space<vmem>>, vector<128x128xf32>
      tpu.vector_store %arg6[%swap3A_78, %swap3A_79], %add3A_77 {strides = array<i32>} : memref<1024x128xf32, #tpu.memory_space<vmem>>, vector<128x128xf32>,
    }
    %while3A_58 = arith.constant 1 : i32
    scf.for %while3A_59 = %while3A_56 to %while3A_52 step %while3A_58  : i32 {
      %add3A_60 = arith.addi %get3A_3, %while3A_59 : i32
      %mul3A_61 = arith.constant 128 : i32
      %mul3A_62 = arith.muli %add3A_60, %mul3A_61 : i32
      %convert_element_type3A_63 = arith.trunci %mul3A_62 : i32 to i16
      %add3A_64 = vector.broadcast %convert_element_type3A_63 : i16 to vector<128x12800xi16>
      %add3A_65 = arith.addi %iota3A, %add3A_64 : vector<128x12800xi16>
      %eq3A_66 = vector.broadcast %get3A_11 : vector<1x12800xi16> to vector<128x12800xi16>
      %eq3A_67 = arith.cmpi eq, %eq3A_66, %add3A_65 : vector<128x12800xi16>
      %broadcast_in_dim3A_68 = vector.shape_cast %convert_element_type3A_21 : vector<1x12800xbf16> to vector<1x12800xbf16>
      %broadcast_in_dim3A_69 = vector.broadcast %broadcast_in_dim3A_68 : vector<1x12800xbf16> to vector<128x12800xbf16>
      %broadcast_in_dim3A_70 = vector.broadcast %while3A_49 : bf16 to vector<128x12800xbf16>
      %select_n3A_71 = arith.select %eq3A_67, %broadcast_in_dim3A_69, %broadcast_in_dim3A_70 : vector<128x12800xi1>, vector<128x12800xbf16>
      %dot_general3A_72 = arith.constant dense<0.000000e+00> : vector<128x128xf32>
      %dot_general3A_73 = tpu.matmul %select_n3A_71, %convert_element_type3A_25, %dot_general3A_72 {dimension_numbers = #tpu.dot_dimension_numbers<[1], [0], [0], [1], [0, 0, 1, 1], [], []>, transpose_lhs_hint = false} : vector<128x12800xbf16>, vector<12800x128xbf16>, vector<128x128xf32> -> vector<128x128xf32>
      %get3A_74 = arith.index_cast %mul3A_62 : i32 to index
      %get3A_75 = arith.constant 0 : index
      %get3A_76 = vector.load %arg6[%get3A_74, %get3A_75] : memref<1024x128xf32, #tpu.memory_space<vmem>>, vector<128x128xf32>
      %add3A_77 = arith.addf %get3A_76, %dot_general3A_73 : vector<128x128xf32>
      %swap3A_78 = arith.index_cast %mul3A_62 : i32 to index
      %swap3A_79 = arith.constant 0 : index
      %swap3A_80 = vector.load %arg6[%swap3A_78, %swap3A_79] : memref<1024x128xf32, #tpu.memory_space<vmem>>, vector<128x128xf32>
      tpu.vector_store %arg6[%swap3A_78, %swap3A_79], %add3A_77 {strides = array<i32>} : memref<1024x128xf32, #tpu.memory_space<vmem>>, vector<128x128xf32>,
    }
    return
  }
  func.func @transform_0(%arg0: i32) -> (i32, i32) {
    %c0_i32 = arith.constant 0 : i32
    %c0_i32_0 = arith.constant 0 : i32
    %c0_i32_1 = arith.constant 0 : i32
    return %c0_i32, %c0_i32_0 : i32, i32
  }
  func.func @transform_1(%arg0: i32) -> (i32, i32) {
    %c0_i32 = arith.constant 0 : i32
    %c0_i32_0 = arith.constant 0 : i32
    %c0_i32_1 = arith.constant 0 : i32
    return %c0_i32, %c0_i32_0 : i32, i32
  }
  func.func @transform_2(%arg0: i32) -> (i32, i32, i32) {
    %c0_i32 = arith.constant 0 : i32
    %c0_i32_0 = arith.constant 0 : i32
    %c0_i32_1 = arith.constant 0 : i32
    return %arg0, %c0_i32, %c0_i32_0 : i32, i32, i32
  }
  func.func @transform_3(%arg0: i32) -> (i32, i32, i32) {
    %c0_i32 = arith.constant 0 : i32
    %c0_i32_0 = arith.constant 0 : i32
    %c0_i32_1 = arith.constant 0 : i32
    return %arg0, %c0_i32, %c0_i32_0 : i32, i32, i32
  }
  func.func @transform_4(%arg0: i32) -> (i32, i32) {
    %c0_i32 = arith.constant 0 : i32
    %c0_i32_0 = arith.constant 0 : i32
    return %arg0, %c0_i32 : i32, i32
  }
  func.func @transform_5(%arg0: i32) -> (i32, i32) {
    %c0_i32 = arith.constant 0 : i32
    %c0_i32_0 = arith.constant 0 : i32
    %c0_i32_1 = arith.constant 0 : i32
    return %c0_i32, %c0_i32_0 : i32, i32
  }
}

module attributes {stable_mosaic.version = 14 : i64} {
  func.func @_div_kernel(%arg0: memref<1024x128xf32, #tpu.memory_space<vmem>>, %arg1: memref<1024x128xf32, #tpu.memory_space<vmem>>, %arg2: memref<1024x128xf32, #tpu.memory_space<vmem>>) attributes {dimension_semantics = [], scalar_prefetch = 0 : i64, scratch_operands = 0 : i64, tpu.core_type = #tpu.core_type<tc>} {
    %get3A = arith.constant 0 : index
    %get3A_0 = arith.constant 0 : index
    %get3A_1 = vector.load %arg0[%get3A, %get3A_0] : memref<1024x128xf32, #tpu.memory_space<vmem>>, vector<1024x128xf32>
    %get3A_2 = arith.constant 0 : index
    %get3A_3 = arith.constant 0 : index
    %get3A_4 = vector.load %arg1[%get3A_2, %get3A_3] : memref<1024x128xf32, #tpu.memory_space<vmem>>, vector<1024x128xf32>
    %add3A = arith.constant 9.99999993E-9 : f32
    %add3A_5 = vector.broadcast %add3A : f32 to vector<1024x128xf32>
    %add3A_6 = arith.addf %get3A_4, %add3A_5 : vector<1024x128xf32>
    %div3A = arith.divf %get3A_1, %add3A_6 : vector<1024x128xf32>
    %swap3A = arith.constant 0 : index
    %swap3A_7 = arith.constant 0 : index
    %swap3A_8 = vector.load %arg2[%swap3A, %swap3A_7] : memref<1024x128xf32, #tpu.memory_space<vmem>>, vector<1024x128xf32>
    tpu.vector_store %arg2[%swap3A, %swap3A_7], %div3A {strides = array<i32>} : memref<1024x128xf32, #tpu.memory_space<vmem>>, vector<1024x128xf32>,
    return
  }
}

</mosaic_0001>

<sc_bundles>
// kernel: kernel.6.cloned.1.call-start
scs
__scs_entry_jumppad:
0x0: {  	(pc) =	sbr.rel $0x88, $3  }
0x1: {  	(tag) =	ssettag $0x0;
	lr =	simm.s32 $0x1  }
0x2: {  	[smem:$0x3F9D] =	sst lr;
	_ =	strace $0xD0000000  }
0x3: {  	_ = 	snop  }
0x4: {  	_ = 	snop  }
0x5: {  	_ = 	snop  }
0x6: {  	_ = 	snop  }
0x7: {  	_ = 	snop  }
__scs_overlays_trampoline_lowered:
0x8: {  	[smem:$0x3FAC] =	sst s0  }
0x9: {  	[smem:$0x3FAD] =	sst s1  }
0xa: {  	[smem:$0x3FAE] =	sst s2  }
0xb: {  	[smem:$0x3FAF] =	sst s3  }
0xc: {  	[smem:$0x3FB0] =	sst s4  }
0xd: {  	[smem:$0x3FB1] =	sst s5  }
0xe: {  	[smem:$0x3FB2] =	sst s6  }
0xf: {  	[smem:$0x3FB3] =	sst s7  }
0x10: {  	[smem:$0x3FB4] =	sst s8  }
0x11: {  	[smem:$0x3FB5] =	sst s9;
	s0 =	simm.s32 @!p0 $0x0  }
0x12: {  	s1 =	sld [smem:$0x3F9B];
	s0 =	simm.s32 @p0 $0x1  }
0x13: {  	[smem:$0x3FB6] =	sst s0;
	s0 =	simm.s32 @!p1 $0x0  }
0x14: {  	s2 =	sld [smem:$0x3F9A];
	s0 =	simm.s32 @p1 $0x1  }
0x15: {  	[smem:$0x3FB7] =	sst s0;
	s0 =	simm.s32 @!p2 $0x0  }
0x16: {  	s3 =	sld [smem:$0x3FDB];
	s0 =	simm.s32 @p2 $0x1  }
0x17: {  	s4 =	simm.s32 $0x1BF5;
	[smem:$0x3FB9] =	sst s0  }
0x18: {  	s0 =	sld [smem:$0x3F9C];
	_ =	swait.ge [sflag:s4], $0x0  }
0x19: {  	s7 =	sld [smem:$0x3F9D]  }
0x1a: {  	s8 =	sadd.s32 $0xFFFFE003, lr  }
0x1b: {  	s9 =	sadd.s32 $0xFFFFFEF7, lr;
	s5 =	simm.s32 $0xFFFFFFFF;
	p2 =	slt.u32 s8, $0xFFFFF086  }
0x1c: {  	p1 =	slt.u32 s9, $0xF7A;
	s5 =	simm.s32 @!p2 $0x0  }
0x1d: {  	s5 =	simm.s32 @p1 $0x1;
	p0 =	seq.s32 s7, s2  }
0x1e: {  	s7 =	smul.u32 @!p0 $0xF7A, s2;
	p2 =	seq.s32 @!p0 s5, $0x0  }
0x1f: {  	s9 =	smul.u32 $0xF7A, s1;
	s8 =	simm.s32 @!p0 $0x1BF5;
	p2 =	por !p2, p0  }
0x20: {  	[sflag:s8] =	ssyncset.s32 @!p0 $0xFFFFF086;
	s6 =	sadd.s32 @!p0 s3, s7;
	s7 =	simm.s32 @!p0 $0x108  }
0x21: {  	s3 =	sadd.s32 s3, s9;
	s6 =	sadd.s32 @!p0 $0x88, s6;
	s7 =	simm.s32 @p2 $0x1082  }
0x22: {  	[simem:s7], [sflag:s8] =	dma.local @!p0 [hbm:s6], $0xF7A  }
0x23: {  	s9 =	sor.u32 $0xD0000000, s2;
	s6 =	simm.s32 $0x108;
	_ =	swait.ge @!p0 [sflag:s8], $0x0  }
0x24: {  	s3 =	sadd.s32 $0x88, s3;
	s6 =	simm.s32 @!p1 $0x1082;
	[sflag:s4] =	ssyncset.s32 $0xFFFFF086  }
0x25: {  	[simem:s6], [sflag:s4] =	dma.local [hbm:s3], $0xF7A  }
0x26: {  	[smem:$0x3F9D] =	sst s1;
	(tag) =	ssettag s2;
	_ =	strace s9  }
0x27: {  	s1 =	sld [smem:$0x3FAD]  }
0x28: {  	s2 =	sld [smem:$0x3FAE]  }
0x29: {  	s4 =	sld [smem:$0x3FB0]  }
0x2a: {  	p0 =	seq.s32 s5, $0x0;
	s5 =	sld [smem:$0x3FB1]  }
0x2b: {  	s6 =	sld [smem:$0x3FB2]  }
0x2c: {  	s7 =	sld [smem:$0x3FB3]  }
0x2d: {  	s3 =	simm.s32 $0x108;
	s8 =	sld [smem:$0x3FB4]  }
0x2e: {  	s3 =	simm.s32 @!p0 $0x1082;
	s9 =	sld [smem:$0x3FB5]  }
0x2f: {  	lr =	sadd.s32 s0, s3;
	s0 =	sld [smem:$0x3FAC]  }
0x30: {  	s3 =	sld [smem:$0x3FAF]  }
0x31: {  	[smem:$0x3FB8] =	sst s10  }
0x32: {  	s10 =	sld [smem:$0x3FB6];
	_ =	sdelay $0x3  }
0x33: {  	p0 =	seq.s32 s10, $0x1;
	s10 =	sld [smem:$0x3FB8];
	_ =	sdelay $0x3  }
0x34: {  	[smem:$0x3FB8] =	sst s10  }
0x35: {  	s10 =	sld [smem:$0x3FB7];
	_ =	sdelay $0x3  }
0x36: {  	p1 =	seq.s32 s10, $0x1;
	s10 =	sld [smem:$0x3FB8];
	_ =	sdelay $0x3  }
0x37: {  	[smem:$0x3FB8] =	sst s10  }
0x38: {  	s10 =	sld [smem:$0x3FB9]  }
0x39: {  	_ = 	snop;
	(pc) =	sbr.ind lr, $3  }
0x3a: {  	_ = 	snop  }
0x3b: {  	_ = 	snop  }
0x3c: {  	p2 =	seq.s32 s10, $0x1;
	s10 =	sld [smem:$0x3FB8]  }
0x3d: {  	_ =	shalt  }
0x3e: {  	_ =	shalt  }
0x3f: {  	_ =	shalt  }
0x40: {  	_ =	shalt  }
0x41: {  	_ =	shalt  }
0x42: {  	_ =	shalt  }
0x43: {  	_ =	shalt  }
0x44: {  	_ =	shalt  }
0x45: {  	_ =	shalt  }
0x46: {  	_ =	shalt  }
0x47: {  	_ =	shalt  }
0x48: {  	_ =	shalt  }
0x49: {  	_ =	shalt  }
0x4a: {  	_ =	shalt  }
0x4b: {  	_ =	shalt  }
0x4c: {  	_ =	shalt  }
0x4d: {  	_ =	shalt  }
0x4e: {  	_ =	shalt  }
0x4f: {  	_ =	shalt  }
0x50: {  	_ =	shalt  }
0x51: {  	_ =	shalt  }
0x52: {  	_ =	shalt  }
0x53: {  	_ =	shalt  }
0x54: {  	_ =	shalt  }
0x55: {  	_ =	shalt  }
0x56: {  	_ =	shalt  }
0x57: {  	_ =	shalt  }
0x58: {  	_ =	shalt  }
0x59: {  	_ =	shalt  }
0x5a: {  	_ =	shalt  }
0x5b: {  	_ =	shalt  }
0x5c: {  	_ =	shalt  }
0x5d: {  	_ =	shalt  }
0x5e: {  	_ =	shalt  }
0x5f: {  	_ =	shalt  }
0x60: {  	_ =	shalt  }
0x61: {  	_ =	shalt  }
0x62: {  	_ =	shalt  }
0x63: {  	_ =	shalt  }
0x64: {  	_ =	shalt  }
0x65: {  	_ =	shalt  }
0x66: {  	_ =	shalt  }
0x67: {  	_ =	shalt  }
0x68: {  	_ =	shalt  }
0x69: {  	_ =	shalt  }
0x6a: {  	_ =	shalt  }
0x6b: {  	_ =	shalt  }
0x6c: {  	_ =	shalt  }
0x6d: {  	_ =	shalt  }
0x6e: {  	_ =	shalt  }
0x6f: {  	_ =	shalt  }
0x70: {  	_ =	shalt  }
0x71: {  	_ =	shalt  }
0x72: {  	_ =	shalt  }
0x73: {  	_ =	shalt  }
0x74: {  	_ =	shalt  }
0x75: {  	_ =	shalt  }
0x76: {  	_ =	shalt  }
0x77: {  	_ =	shalt  }
0x78: {  	_ =	shalt  }
0x79: {  	_ =	shalt  }
0x7a: {  	_ =	shalt  }
0x7b: {  	_ =	shalt  }
0x7c: {  	_ =	shalt  }
0x7d: {  	_ =	shalt  }
0x7e: {  	_ =	shalt  }
0x7f: {  	_ =	shalt  }
0x80: {  	_ =	shalt  }
0x81: {  	_ =	shalt  }
0x82: {  	_ =	shalt  }
0x83: {  	_ =	shalt  }
0x84: {  	_ =	shalt  }
0x85: {  	_ =	shalt  }
0x86: {  	_ =	shalt  }
0x87: {  	_ =	shalt  }
.Lfunc_end0:
.L_simem_size_0:
called_computation_lowered:
.L_overlay_start_0:
0x88: {  	s0 =	sld [smem:$0x3FD9]  }
0x89: {  	s1 =	sld [smem:$0x3FFE];
	_ =	sdelay $0x3  }
0x8a: {  	s0 =	sadd.s32 s1, s0  }
0x8b: {  	[smem:$0x3FC4] =	sst s0  }
0x8c: {  	_ = 	snop  }
0x8d: {  	s0 =	sld [smem:$0x3FC8]  }
0x8e: {  	s16 =	sld [smem:$0x3FD0];
	(tm) =	ssettm $0x1  }
0x8f: {  	s2 =	sld [smem:$0x3FFB];
	_ =	sdelay $0x3  }
0x90: {  	_ =	strace s2  }
0x91: {  	s2 =	sld [smem:$0x3FFC];
	_ =	sdelay $0x3  }
0x92: {  	_ =	strace s2  }
0x93: {  	s2 =	sld [smem:$0x3FFD];
	_ =	sdelay $0x3  }
0x94: {  	_ =	strace s2  }
0x95: {  	_ =	strace $0x8FFFFFFF  }
0x96: {  	s17 =	sld [smem:$0x3FDB];
	_ =	sdelay $0x1  }
0x97: {  	s3 =	simm.s32 $_scs_section_size  }
0x98: {  	s4 =	simm.s32 $_size__tile_overlayer_lowered;
	s5 =	simm.s32 $_tile_overlayer_lowered  }
0x99: {  	s20 =	simm.s32 $0x1BFF;
	s19 =	sshll.u32 s5, $0x1;
	s2 =	sadd.s32 s3, s17  }
0x9a: {  	s6 =	simm.s32 $0x0;
	s18 =	sshll.u32 s4, $0x1;
	s4 =	sadd.s32 s19, s2  }
0x9b: {  	[timem:s6], [sflag:s20] =	dma.local [hbm:s4], s18  }
0x9c: {  	_ =	swait.ge [sflag:s20], s18  }
0x9d: {  	s3 =	ssub.s32 $0x0, s18;
	[sflag:s20] =	ssyncset.done $0x0  }
0x9e: {  	[sflag:s20] =	ssyncadd.s32 s3;
	_ =	sdelay $0x1  }
0x9f: {  	s21 =	simm.s32 $0x1B8B  }
0xa0: {  	_ =	swait.ge [sflag:s21], $0x1  }
0xa1: {  	[sflag:s21] =	ssyncset.done $0x0  }
0xa2: {  	s23 =	simm.s32 $0x1B8E;
	s22 =	sld [smem:$0x3FFE];
	[sflag:s21] =	ssyncadd.s32 $0xFFFFFFFF  }
0xa3: {  	s24 =	simm.s32 $execute0_lowered;
	[smem:$0x3FD2] =	sst s23  }
0xa4: {  	s4 =	sshll.u32 s24, $0x1;
	_ =	strace $0x80000046;
	[dreg:$0x1] =	wrdreg $0xFFFFFFFF  }
0xa5: {  	s25 =	simm.s32 $_size_execute0_lowered;
	s2 =	sadd.s32 s2, s4;
	[dreg:$0x0] =	wrdreg $0x0  }
0xa6: {  	s4 =	sshll.u32 s25, $0x1;
	[dreg:$0x2] =	wrdreg s2  }
0xa7: {  	[dreg:$0x3] =	wrdreg s4  }
0xa8: {  	[dreg:$0x4] =	wrdreg $0xC0  }
0xa9: {  	_ =	task [dreg:s6], $0x5FFFF  }
0xaa: {  	[dreg:$0x1] =	wrdreg $0xFFFFFFFF  }
0xab: {  	[dreg:$0x0] =	wrdreg $0x60  }
0xac: {  	[dreg:$0x2] =	wrdreg s22  }
0xad: {  	[dreg:$0x3] =	wrdreg s0  }
0xae: {  	[dreg:$0x4] =	wrdreg s16  }
0xaf: {  	[dreg:$0x5] =	wrdreg $0x105800  }
0xb0: {  	[dreg:$0x6] =	wrdreg $0x9  }
0xb1: {  	_ =	task.clear_ibuf [dreg:s6], $0x7FFFF;
	_ =	strace $0x90000046  }
0xb2: {  	s26 =	simm.s32 $0x9;
	_ =	strace $0x80000048  }
0xb3: {  	_ =	swait.ge [sflag:s26], $0x1  }
0xb4: {  	[sflag:s26] =	ssyncadd.s32 $0xFFFFFFFF  }
0xb5: {  	_ =	strace $0x90000048  }
0xb6: {  	_ =	sfence  }
0xb7: {  	s28 =	sld [smem:$0x0];
	_ =	sdelay $0x1  }
0xb8: {  	s29 =	srdreg.scid  }
0xb9: {  	s30 =	sshll.u32 s29, $0xD;
	s31 =	sshrl.u32 s29, $0x2  }
0xba: {  	s1 =	sand.u32 $0x1, s29;
	s2 =	sand.u32 $0x4000, s30;
	s0 =	sadd.s32 s31, s28  }
0xbb: {  	s1 =	sor.u32 s2, s1;
	s0 =	sshll.u32 s0, $0x11  }
0xbc: {  	s0 =	sor.u32 s0, s1  }
0xbd: {  	s0 =	sadd.s32 $0x8F2B, s0  }
0xbe: {  	[sflag:s0] =	ssyncadd.remote.s32 $0x1  }
0xbf: {  	_ =	sfence.sel $0xFFFF  }
0xc0: {  	[dreg:$0x0] =	wrdreg $0xFFFFFFFF;
	(pc) =	sbr.abs _section_cstart, $3  }
0xc1: {  	[dreg:$0x1] =	wrdreg $0xFFFFFFFF  }
0xc2: {  	_ =	task.clear_ibuf [dreg:s6], $0x2FFFF;
	_ =	strace $0x9FFFFFFF  }
0xc3: {  	(tm) =	ssettm $0x7FFFFFFF  }
tec
execute0_lowered:
.L_overlay_start_1:
0x0: {  	(tag) =	ssettag $0x1  }
0x1: {  	s5 =	rddreg [dreg:$0x0]  }
0x2: {  	s6 =	rddreg [dreg:$0x1]  }
0x3: {  	s2 =	rddreg [dreg:$0x2];
	s0 =	stileid.u32  }
0x4: {  	s4 =	rddreg [dreg:$0x3];
	s7 =	smul.u32 $0x9C4, s0  }
0x5: {  	s1 =	rddreg [dreg:$0x4];
	s3 =	simm.s32 $0x0  }
0x6: {  	[smem:$0x7FF] =	sst s3;
	s8 =	sadd.s32 s7, s5  }
0x7: {  	s29 =	simm.s32 $0x1;
	_ =	strace $0x80000047;
	s8 =	sadd.s32 $0xC00, s8  }
0x8: {  	[tilespmem:s3], [sflag:$0x1] =	stream.linear.gather [hbm4b:s8+s3], $0x4E20, $0x38;
	[tilespmem:$0x10980] =	vst v63  }
0x9: {  	_ =	swait.ge [sflag:s29], $0x4E20  }
0xa: {  	[sflag:s29] =	ssyncset.done $0x0  }
0xb: {  	s30 =	simm.s32 $0x4E80;
	s6 =	sadd.s32 s6, s7;
	[sflag:s29] =	ssyncadd.s32 $0xFFFFB1E0  }
0xc: {  	[tilespmem:s30], [sflag:$0x1] =	stream.linear.gather [hbm4b:s6+s3], $0x4E20, $0x38;
	[tilespmem:$0x10980] =	vst v63  }
0xd: {  	_ =	swait.ge [sflag:s29], $0x4E20  }
0xe: {  	[sflag:s29] =	ssyncset.done $0x0  }
0xf: {  	s31 =	simm.s32 $0xE500;
	s5 =	sadd.s32 $0xAA00, s5;
	[sflag:s29] =	ssyncadd.s32 $0xFFFFB1E0  }
0x10: {  	[tilespmem:s31], [sflag:$0x1] =	stream.linear.gather [hbm4b:s5+s3], $0x80, $0x38;
	[tilespmem:$0x10980] =	vst v63  }
0x11: {  	_ =	swait.ge [sflag:s29], $0x80  }
0x12: {  	[sflag:s29] =	ssyncset.done $0x0  }
0x13: {  	[sflag:s29] =	ssyncadd.s32 $0xFFFFFF80  }
0x14: {  	v1 =	vimm.f32 $0.0e+00;
	v0 =	vld [tilespmem:$0xE500]  }
.LBB2_1:
0x15: {  	p0 =	sne.s32 s3, $0xFC0  }
.Ltmp0:
0x16: {  	_ = 	snop;
	(pc) =	sbr.rel @p0 .LBB2_1-.Ltmp0, $3  }
0x17: {  	_ =	sdelay $0x1  }
0x18: {  	s5 =	sshra.s32 s3, $0x2  }
0x19: {  	s3 =	sadd.s32 $0x40, s3;
	[tilespmem:s5+$0x9D00] =	vst v1  }
0x1a: {  	s5 =	simm.s32 $0x9D00;
	s6 =	simm.s32 $0x0;
	s3 =	simm.s32 $0x40  }
.LBB2_3:
0x1b: {  	p0 =	sne.s32 s3, $0x13840;
	v1 =	vld [tilespmem:s6+$0x0];
	_ =	sdelay $0x4  }
0x1c: {  	v1 =	vsub.f32 v1, v0;
	_ =	sdelay $0x1  }
0x1d: {  	v1 =	vmul.f32 $1.442695020e+00, v1;
	_ =	sdelay $0x1  }
0x1e: {  	(erf) = vpow2.f32 v1;
	_ =	sdelay $0x1  }
0x1f: {  	v1 =	vld [tilespmem:s6+$0x4E80];
	_ =	sdelay $0x3  }
.Ltmp1:
0x20: {  	(pc) =	sbr.rel @p0 .LBB2_3-.Ltmp1, $3  }
0x21: {  	_ =	sdelay $0x1  }
0x22: {  	v2 =	vpop (erf)  }
0x23: {  	s6 =	sshra.s32 s3, $0x2;
	s3 =	sadd.s32 $0x40, s3;
	[tilespmem:v1+s5+$0x0] =	vst.idx.add.f32.msk $0xffff, v2  }
0x24: {  	v1 =	vld [tilespmem:s6+$0x0];
	_ =	sdelay $0x4  }
0x25: {  	v0 =	vsub.f32 v1, v0;
	_ =	sdelay $0x1  }
0x26: {  	v0 =	vmul.f32 $1.442695020e+00, v0;
	_ =	sdelay $0x1  }
0x27: {  	(erf) = vpow2.f32 v0;
	_ =	sdelay $0x1  }
0x28: {  	v48 =	vld [tilespmem:s6+$0x4E80];
	_ =	sdelay $0x4  }
0x29: {  	s3 =	sshll.u32 s0, $0xA  }
0x2a: {  	s7 =	sshll.u32 s0, $0x7;
	s23 =	simm.s32 $0x80;
	s22 =	sand.u32 $0x2000, s3  }
0x2b: {  	s24 =	simm.s32 $0x400;
	s7 =	sand.u32 $0x380, s7;
	s6 =	sadd.s32 s22, s4;
	v49 =	vpop (erf)  }
0x2c: {  	s8 =	simm.s32 $0x9D00;
	s25 =	simm.s32 $0x1;
	s6 =	sadd.s32 s7, s6;
	[tilespmem:v48+s5+$0x0] =	vst.idx.add.f32.msk $0xffff, v49  }
0x2d: {  	[spmem:s6] =	stream.strided.scatter [tilespmem:s8], [sflag:$0x1], $0x400, s24, s23, $0x38;
	[tilespmem:$0x10980] =	vst v63  }
0x2e: {  	_ =	swait.ge [sflag:s25], $0x400  }
0x2f: {  	[sflag:s25] =	ssyncset.done $0x0  }
0x30: {  	[sflag:s25] =	ssyncadd.s32 $0xFFFFFC00  }
0x31: {  	s26 =	simm.s32 $0xA500;
	[bflag:$0x0] =	sbarrier.arrive $0xFFFF  }
0x32: {  	[tilespmem:s26], [sflag:$0x1] =	stream.linear.gather [spmem:s4], $0x4000, $0x38;
	[tilespmem:$0x10980] =	vst v63  }
0x33: {  	s28 =	simm.s32 $0x0;
	_ =	swait.ge [sflag:s25], $0x4000  }
0x34: {  	s29 =	sand.u32 $0x70, s28;
	s4 =	sand.u32 $0x1C00, s28;
	[sflag:s25] =	ssyncset.done $0x0  }
0x35: {  	s4 =	sor.u32 s29, s4;
	[sflag:s25] =	ssyncadd.s32 $0xFFFFC000  }
0x36: {  	v50 =	vld [tilespmem:s4+$0xA580]  }
0x37: {  	v51 =	vld [tilespmem:s4+$0xA500];
	_ =	sdelay $0x1  }
0x38: {  	v2 =	vld [tilespmem:s4+$0xA600];
	_ =	sdelay $0x1  }
0x39: {  	v3 =	vld [tilespmem:s4+$0xA680]  }
0x3a: {  	v0 =	vadd.f32 v50, v51  }
0x3b: {  	v52 =	vld [tilespmem:s4+$0xA700]  }
0x3c: {  	v0 =	vadd.f32 v2, v0  }
0x3d: {  	v53 =	vld [tilespmem:s4+$0xA780]  }
0x3e: {  	v0 =	vadd.f32 v3, v0  }
0x3f: {  	v54 =	vld [tilespmem:s4+$0xA800]  }
0x40: {  	v0 =	vadd.f32 v52, v0  }
0x41: {  	v55 =	vld [tilespmem:s4+$0xA880]  }
0x42: {  	v0 =	vadd.f32 v53, v0  }
0x43: {  	v56 =	vld [tilespmem:s4+$0xC500]  }
0x44: {  	v0 =	vadd.f32 v54, v0  }
0x45: {  	v57 =	vld [tilespmem:s4+$0xC580]  }
0x46: {  	v0 =	vadd.f32 v55, v0  }
0x47: {  	v58 =	vld [tilespmem:s4+$0xC600]  }
0x48: {  	v0 =	vadd.f32 v56, v0  }
0x49: {  	v59 =	vld [tilespmem:s4+$0xC680]  }
0x4a: {  	v0 =	vadd.f32 v57, v0  }
0x4b: {  	v60 =	vld [tilespmem:s4+$0xC700]  }
0x4c: {  	v0 =	vadd.f32 v58, v0  }
0x4d: {  	v61 =	vld [tilespmem:s4+$0xC780]  }
0x4e: {  	v0 =	vadd.f32 v59, v0  }
0x4f: {  	v62 =	vld [tilespmem:s4+$0xC800]  }
0x50: {  	v0 =	vadd.f32 v60, v0  }
0x51: {  	v63 =	vld [tilespmem:s4+$0xC880]  }
0x52: {  	v0 =	vadd.f32 v61, v0;
	_ =	sdelay $0x1  }
0x53: {  	v0 =	vadd.f32 v62, v0;
	_ =	sdelay $0x1  }
0x54: {  	s30 =	simm.s32 $0x10;
	s6 =	simm.s32 $0x80;
	v0 =	vadd.f32 v63, v0  }
0x55: {  	s5 =	sand.u32 $0x70, s30;
	s31 =	sand.u32 $0x1C00, s6;
	s4 =	simm.s32 $0xA100  }
0x56: {  	s7 =	simm.s32 $0x20;
	s5 =	sor.u32 s5, s31;
	[tilespmem:s4+$0x0] =	vst v0  }
.LBB2_5:
0x57: {  	p0 =	sne.s32 s7, $0x3F0;
	v0 =	vld [tilespmem:s5+$0xA580]  }
0x58: {  	v1 =	vld [tilespmem:s5+$0xA500];
	_ =	sdelay $0x1  }
0x59: {  	v2 =	vld [tilespmem:s5+$0xA600];
	_ =	sdelay $0x1  }
0x5a: {  	v3 =	vld [tilespmem:s5+$0xA680]  }
0x5b: {  	v0 =	vadd.f32 v0, v1  }
0x5c: {  	v1 =	vld [tilespmem:s5+$0xA700]  }
0x5d: {  	v0 =	vadd.f32 v2, v0  }
0x5e: {  	v2 =	vld [tilespmem:s5+$0xA780]  }
0x5f: {  	v0 =	vadd.f32 v3, v0  }
0x60: {  	v3 =	vld [tilespmem:s5+$0xA800]  }
0x61: {  	v0 =	vadd.f32 v1, v0  }
0x62: {  	v1 =	vld [tilespmem:s5+$0xA880]  }
0x63: {  	v0 =	vadd.f32 v2, v0  }
0x64: {  	v2 =	vld [tilespmem:s5+$0xC500]  }
0x65: {  	v0 =	vadd.f32 v3, v0  }
0x66: {  	v3 =	vld [tilespmem:s5+$0xC580]  }
0x67: {  	v0 =	vadd.f32 v1, v0  }
0x68: {  	v1 =	vld [tilespmem:s5+$0xC600]  }
0x69: {  	v0 =	vadd.f32 v2, v0  }
0x6a: {  	v2 =	vld [tilespmem:s5+$0xC680]  }
0x6b: {  	v0 =	vadd.f32 v3, v0  }
0x6c: {  	v3 =	vld [tilespmem:s5+$0xC700]  }
0x6d: {  	v0 =	vadd.f32 v1, v0  }
0x6e: {  	v1 =	vld [tilespmem:s5+$0xC780]  }
0x6f: {  	v0 =	vadd.f32 v2, v0  }
0x70: {  	v2 =	vld [tilespmem:s5+$0xC800]  }
0x71: {  	v0 =	vadd.f32 v3, v0  }
0x72: {  	v3 =	vld [tilespmem:s5+$0xC880]  }
0x73: {  	v0 =	vadd.f32 v1, v0;
	_ =	sdelay $0x1  }
.Ltmp2:
0x74: {  	v0 =	vadd.f32 v2, v0;
	(pc) =	sbr.rel @p0 .LBB2_5-.Ltmp2, $4  }
0x75: {  	_ = 	snop  }
0x76: {  	s6 =	sadd.s32 $0x80, s6;
	v0 =	vadd.f32 v3, v0  }
0x77: {  	s4 =	sadd.s32 $0x10, s4;
	s8 =	sand.u32 $0x1C00, s6;
	s5 =	sand.u32 $0x70, s7  }
0x78: {  	s7 =	sadd.s32 $0x10, s7;
	s5 =	sor.u32 s5, s8;
	[tilespmem:s4+$0x0] =	vst v0  }
0x79: {  	v0 =	vld [tilespmem:s5+$0xA580]  }
0x7a: {  	v1 =	vld [tilespmem:s5+$0xA500];
	_ =	sdelay $0x1  }
0x7b: {  	v2 =	vld [tilespmem:s5+$0xA600];
	_ =	sdelay $0x1  }
0x7c: {  	v3 =	vld [tilespmem:s5+$0xA680]  }
0x7d: {  	v0 =	vadd.f32 v0, v1  }
0x7e: {  	v1 =	vld [tilespmem:s5+$0xA700]  }
0x7f: {  	v0 =	vadd.f32 v2, v0  }
0x80: {  	v2 =	vld [tilespmem:s5+$0xA780]  }
0x81: {  	v0 =	vadd.f32 v3, v0  }
0x82: {  	v3 =	vld [tilespmem:s5+$0xA800]  }
0x83: {  	v0 =	vadd.f32 v1, v0  }
0x84: {  	v1 =	vld [tilespmem:s5+$0xA880]  }
0x85: {  	v0 =	vadd.f32 v2, v0  }
0x86: {  	v2 =	vld [tilespmem:s5+$0xC500]  }
0x87: {  	v0 =	vadd.f32 v3, v0  }
0x88: {  	v3 =	vld [tilespmem:s5+$0xC580]  }
0x89: {  	v0 =	vadd.f32 v1, v0  }
0x8a: {  	v1 =	vld [tilespmem:s5+$0xC600]  }
0x8b: {  	v0 =	vadd.f32 v2, v0  }
0x8c: {  	v2 =	vld [tilespmem:s5+$0xC680]  }
0x8d: {  	v0 =	vadd.f32 v3, v0  }
0x8e: {  	v3 =	vld [tilespmem:s5+$0xC700]  }
0x8f: {  	v0 =	vadd.f32 v1, v0  }
0x90: {  	v1 =	vld [tilespmem:s5+$0xC780]  }
0x91: {  	v0 =	vadd.f32 v2, v0  }
0x92: {  	v2 =	vld [tilespmem:s5+$0xC800]  }
0x93: {  	v0 =	vadd.f32 v3, v0  }
0x94: {  	v3 =	vld [tilespmem:s5+$0xC880]  }
0x95: {  	s5 =	sshll.u32 s0, $0x6;
	v0 =	vadd.f32 v1, v0  }
0x96: {  	s6 =	sadd.s32 $0x0, s5  }
0x97: {  	v1 =	vmov s6;
	v0 =	vadd.f32 v2, v0;
	_ =	sdelay $0x1  }
0x98: {  	v0 =	vadd.f32 v3, v0  }
0x99: {  	s4 =	sadd.s32 $0x10, s4  }
0x9a: {  	[tilespmem:s4+$0x0] =	vst v0;
	s4 =	simm.s32 $0xA100  }
0x9b: {  	v0 =	vld.idx.msk [tilespmem:v1+s4+$0x0], $0xffff;
	_ =	sdelay $0x3  }
0x9c: {  	s6 =	simm.s32 $0xE5C0  }
0x9d: {  	[tilespmem:s6+$0xFFFFFFC0] =	vst v0  }
0x9e: {  	[tilespmem:s6+$0xFFFFFFD0] =	vst v0  }
0x9f: {  	s7 =	simm.s32 $0x2;
	s8 =	sadd.s32 $0x1, s5;
	[tilespmem:s6+$0xFFFFFFE0] =	vst v0  }
.LBB2_7:
0xa0: {  	p0 =	sne.s32 s7, $0x3F;
	v1 =	vmov s8;
	[tilespmem:s6+$0xFFFFFFF0] =	vst v0  }
0xa1: {  	[tilespmem:s6+$0x0] =	vst v0  }
0xa2: {  	[tilespmem:s6+$0x10] =	vst v0  }
0xa3: {  	[tilespmem:s6+$0x20] =	vst v0  }
0xa4: {  	[tilespmem:s6+$0x30] =	vst v0  }
0xa5: {  	v0 =	vld.idx.msk [tilespmem:v1+s4+$0x0], $0xffff;
	_ =	sdelay $0x3  }
.Ltmp3:
0xa6: {  	(pc) =	sbr.rel @p0 .LBB2_7-.Ltmp3, $4  }
0xa7: {  	s6 =	sadd.s32 $0x80, s6  }
0xa8: {  	[tilespmem:s6+$0xFFFFFFC0] =	vst v0  }
0xa9: {  	[tilespmem:s6+$0xFFFFFFD0] =	vst v0  }
0xaa: {  	s8 =	sadd.s32 s7, s5;
	s7 =	sadd.s32 $0x1, s7;
	[tilespmem:s6+$0xFFFFFFE0] =	vst v0  }
0xab: {  	v1 =	vmov s8;
	[tilespmem:s6+$0xFFFFFFF0] =	vst v0  }
0xac: {  	[tilespmem:s6+$0x0] =	vst v0  }
0xad: {  	[tilespmem:s6+$0x10] =	vst v0  }
0xae: {  	[tilespmem:s6+$0x20] =	vst v0  }
0xaf: {  	[tilespmem:s6+$0x30] =	vst v0  }
0xb0: {  	v0 =	vld.idx.msk [tilespmem:v1+s4+$0x0], $0xffff;
	_ =	sdelay $0x3  }
0xb1: {  	s28 =	sadd.s32 $0x80, s6  }
0xb2: {  	[tilespmem:s28+$0xFFFFFFC0] =	vst v0  }
0xb3: {  	[tilespmem:s28+$0xFFFFFFD0] =	vst v0  }
0xb4: {  	[tilespmem:s28+$0xFFFFFFE0] =	vst v0  }
0xb5: {  	[tilespmem:s28+$0xFFFFFFF0] =	vst v0  }
0xb6: {  	[tilespmem:s28+$0x0] =	vst v0  }
0xb7: {  	[tilespmem:s28+$0x10] =	vst v0  }
0xb8: {  	s2 =	sadd.s32 s2, s3;
	[tilespmem:s28+$0x20] =	vst v0  }
0xb9: {  	s29 =	simm.s32 $0x0;
	s30 =	simm.s32 $0xE580;
	s31 =	simm.s32 $0x1;
	[tilespmem:s28+$0x30] =	vst v0  }
0xba: {  	[hbm4b:s2+s29] =	stream.linear.scatter [tilespmem:s30], [sflag:$0x1], $0x2000, $0x38;
	[tilespmem:$0x10980] =	vst v63  }
0xbb: {  	_ =	swait.ge [sflag:s31], $0x2000  }
0xbc: {  	[sflag:s31] =	ssyncset.done $0x0  }
0xbd: {  	[sflag:s31] =	ssyncadd.s32 $0xFFFFE000  }
0xbe: {  	_ =	sfence.sel $0x180000  }
0xbf: {  	[bflag:$0x0] =	sbarrier.arrive $0xFFFF  }
0xc0: {  	p0 =	sne.s32 s0, $0x0;
	_ =	strace $0x90000047  }
0xc1: {  	s0 =	sadd.s32 @!p0 $0x100000, s1;
	[bflag:$0x2] =	sbarrier.arrive $0xFFFF  }
0xc2: {  	[sflag:s0] =	ssyncadd.tile.s32 @!p0 $0x1;
	_ =	shalt  }
.Lfunc_end2:
_tile_overlayer_lowered:
.L_overlay_start_2:
0xc3: {  	(tag) =	ssettag $0x2  }
0xc4: {  	s0 =	rddreg [dreg:$0x0];
	s2 =	stileid.u32  }
0xc5: {  	s1 =	rddreg [dreg:$0x1];
	p0 =	sne.s32 s2, $0x0  }
0xc6: {  	s3 =	rddreg [dreg:$0x2];
	[bflag:$0x3] =	sbarrier.arrive $0xFFFF;
	s2 =	simm.s32 @!p0 $0x1C01  }
0xc7: {  	[timem:s3], [sflag:s2] =	dma.local @!p0 [hbm:s0], s1  }
0xc8: {  	s0 =	simm.s32 @!p0 $0x1  }
0xc9: {  	_ =	swait.ge @!p0 [sflag:s0], s1  }
0xca: {  	s1 =	ssub.s32 @!p0 $0x0, s1;
	[sflag:s0] =	ssyncset.done @!p0 $0x0  }
0xcb: {  	[sflag:s0] =	ssyncadd.s32 @!p0 s1  }
0xcc: {  	[bflag:$0x3] =	sbarrier.arrive $0xFFFF  }
0xcd: {  	_ =	shalt  }

</sc_bundles>
